<compile_context>
chip_gen: v7x
topology: tpu7x:2x2x1
jax: 0.10.2.dev20260603
libtpu: 0.0.44.dev20260713+nightly
codegen_flags: <defaults>
</compile_context>

<pallas_src>
import functools

import jax
import jax.numpy as jnp
from jax import lax
from jax.experimental import pallas as pl
from jax.experimental.pallas import tpu as pltpu
from jax.experimental.pallas import tpu_sc as plsc

_EMBED = 1024
_E = 16
_B = 128

_NW = 32
_ROWS = _E * _EMBED
_RPW = _ROWS // _NW
_CHUNK = 16
_RING = 6
_NCHUNK = _RPW // _CHUNK
_LANES = 16


def _rowsum_sc(W_flat):
    mesh = plsc.VectorSubcoreMesh(core_axis_name="c", subcore_axis_name="s")

    @functools.partial(
        pl.kernel,
        mesh=mesh,
        out_type=jax.ShapeDtypeStruct((_ROWS,), jnp.float32),
        scratch_types=[
            pltpu.VMEM((_RING, _CHUNK, _EMBED), jnp.float32),
            pltpu.VMEM((_RPW,), jnp.float32),
            pltpu.VMEM((_CHUNK * _LANES,), jnp.float32),
            pltpu.SemaphoreType.DMA((_RING,)),
        ],
        compiler_params=pltpu.CompilerParams(needs_layout_passes=False),
    )
    def k(w_hbm, out_hbm, bufs, res, rowpart, sems):
        wid = lax.axis_index("s") * 2 + lax.axis_index("c")

        def copy_desc(c):
            row0 = wid * _RPW + c * _CHUNK
            par = c % _RING
            return pltpu.make_async_copy(
                w_hbm.at[pl.ds(row0, _CHUNK)], bufs.at[par], sems.at[par])

        lane = lax.iota(jnp.int32, _LANES)

        def shuf(v, idx):
            return v.at[idx].get(mode="promise_in_bounds",
                                 unique_indices=True)

        def combine(a, b, d):
            mask = (lane & d) == 0
            return (jnp.where(mask, a, shuf(b, lane ^ d))
                    + jnp.where(mask, shuf(a, lane ^ d), b))

        bitrev = (((lane & 1) << 3) | ((lane & 2) << 1)
                  | ((lane & 4) >> 1) | ((lane & 8) >> 3))

        for c in range(min(_RING, _NCHUNK)):
            copy_desc(c).start()

        def chunk_body(c, carry):
            par = c % _RING
            copy_desc(c).wait()

            @plsc.parallel_loop(0, _CHUNK, unroll=2)
            def _row(r):
                accs = [jnp.zeros((_LANES,), jnp.float32) for _ in range(4)]
                for k in range(_EMBED // _LANES):
                    accs[k % 4] = accs[k % 4] + bufs[par, r,
                                                     pl.ds(k * _LANES,
                                                           _LANES)]
                rowpart[pl.ds(r * _LANES, _LANES)] = (
                    (accs[0] + accs[1]) + (accs[2] + accs[3]))

            for g in range(_CHUNK // _LANES):
                cur = [rowpart[pl.ds((g * _LANES + i) * _LANES, _LANES)]
                       for i in range(_LANES)]
                for d in (8, 4, 2, 1):
                    cur = [combine(cur[2 * j], cur[2 * j + 1], d)
                           for j in range(len(cur) // 2)]
                res[pl.ds(c * _CHUNK + g * _LANES, _LANES)] = shuf(
                    cur[0], bitrev)

            @pl.when(c + _RING < _NCHUNK)
            def _():
                copy_desc(c + _RING).start()
            return carry

        lax.fori_loop(0, _NCHUNK, chunk_body, jnp.int32(0))
        pltpu.sync_copy(res, out_hbm.at[pl.ds(wid * _RPW, _RPW)])

    return k(W_flat)


def _combine_kernel(x_ref, Wg_ref, bg_ref, ws_ref, b_ref, out_ref):
    logits = x_ref[...] @ Wg_ref[...] + bg_ref[...]
    m = jnp.max(logits, axis=1, keepdims=True)
    p = jnp.exp(logits - m)
    g = 1.0 / jnp.sum(p, axis=1)
    ii = jax.lax.broadcasted_iota(jnp.int32, (_B, _E), 1)
    idx = jnp.min(jnp.where(logits == m, ii, _E), axis=1)
    S = lax.dot_general(x_ref[...], ws_ref[...],
                        (((1,), (1,)), ((), ())))
    bsum = jnp.sum(b_ref[...], axis=1)
    A = g[:, None] * (S + bsum[None, :])
    H = (ii == idx[:, None]).astype(jnp.float32)
    out_ref[...] = A @ H.T


def kernel(x, Wg, bg, W, b):
    w_sum = _rowsum_sc(W.reshape(_ROWS, _EMBED)).reshape(_E, _EMBED)
    return pl.pallas_call(
        _combine_kernel,
        out_shape=jax.ShapeDtypeStruct((_B, _B), jnp.float32),
    )(x, Wg, bg.reshape(1, _E), w_sum, b)

# --- scband reference (transcript-rebuilt; emitter-appended) ---
"""Pipeline reference for scband-sparse-mixture-of-experts-14705968022236 (READ-ONLY COPY).

The authoritative reference and input builder live on the scoring server;
editing this copy changes nothing except your own understanding.
"""

import jax, jax.numpy as jnp
import numpy as np

EMBED = 1024
NUM_EXPERTS = 16
K = 1
B = 128


def setup_inputs(seed: int = 0) -> dict:
    key = jax.random.key(seed)
    ks = jax.random.split(key, 4)
    x = jax.random.normal(ks[0], (B, EMBED), dtype=jnp.float32)
    # gating: Linear(embed, num_experts)
    Wg = jax.random.normal(ks[1], (EMBED, NUM_EXPERTS), dtype=jnp.float32) * 0.02
    bg = jnp.zeros((NUM_EXPERTS,), dtype=jnp.float32)
    # experts: num_experts x Linear(embed, embed); W[i] used as x @ W[i] + b[i]
    W = jax.random.normal(ks[2], (NUM_EXPERTS, EMBED, EMBED), dtype=jnp.float32) * 0.02
    b = jnp.zeros((NUM_EXPERTS, EMBED), dtype=jnp.float32)
    return {"x": x, "Wg": Wg, "bg": bg, "W": W, "b": b}


def reference(x, Wg, bg, W, b):
    # gates = softmax(gating(x))  -> [B, E]
    logits = x @ Wg + bg
    gates = jax.nn.softmax(logits, axis=-1)
    # topk indices -> [B, K]
    _, topi = jax.lax.top_k(gates, K)
    # active_experts = experts[topk_indices.view(-1)]  (B*K experts, EACH applied to full x)
    flat_idx = topi.reshape(-1)                      # [B*K] int
    We = jnp.take(W, flat_idx, axis=0)               # [B*K, embed, embed] (gather)
    be = jnp.take(b, flat_idx, axis=0)               # [B*K, embed]
    # torch.stack([expert(x) for expert in active_experts], dim=1) -> [B, B*K, embed]
    expert_outputs = jnp.einsum('ne,jef->njf', x, We) + be[None, :, :]
    # active_gates = gates.gather(-1, topk_indices) -> [B, K]
    active_gates = jnp.take_along_axis(gates, topi, axis=-1)
    # output = sum(active_gates.unsqueeze(-2) * expert_outputs, dim=2)
    # active_gates[:, None, :] is [B, 1, K]; with K==1 it broadcasts over [B, B*K, embed];
    # sum over dim=2 (embed) -> [B, B*K] == [B, B]
    output = jnp.sum(active_gates[:, None, :] * expert_outputs, axis=2)
    return output

if __name__ == "__main__":
    import jax
    _d = setup_inputs()
    print(jax.jit(kernel)(*tuple(_d.values())))

</pallas_src>

<mosaic_0001>
#map = affine_map<(d0, d1) -> (0, 0)>
#map1 = affine_map<(d0, d1) -> (0)>
module attributes {stable_mosaic.version = 14 : i64} {
  func.func @k(%arg0: i32, %arg1: i32, %arg2: memref<16384x1024xf32, #tpu.memory_space<hbm>>, %arg3: memref<16384xf32, #tpu.memory_space<hbm>>, %arg4: memref<6x16x1024xf32, #tpu.memory_space<vmem>>, %arg5: memref<512xf32, #tpu.memory_space<vmem>>, %arg6: memref<256xf32, #tpu.memory_space<vmem>>, %arg7: memref<6x!tpu.dma_semaphore, #tpu.memory_space<semaphore_mem>>) attributes {dimension_semantics = [#tpu.dimension_semantics<core_parallel>, #tpu.dimension_semantics<subcore_parallel>], iteration_bounds = array<i64: 2, 16>, scalar_prefetch = 0 : i64, scratch_operands = 4 : i64, tpu.core_type = #tpu.core_type<sc_vector_subcore>, window_params = [{transform_indices = #map}, {transform_indices = #map1}]} {
    %mul3A = arith.constant 2 : i32
    %mul3A_0 = arith.muli %arg1, %mul3A : i32
    %add3A = arith.addi %mul3A_0, %arg0 : i32
    %iota3A = tpu.iota {dimensions = array<i32: 0>} : vector<16xi32>
    %and3A = arith.constant 1 : i32
    %and3A_1 = vector.broadcast %and3A : i32 to vector<16xi32>
    %and3A_2 = arith.andi %iota3A, %and3A_1 : vector<16xi32>
    %shift_left3A = arith.constant 3 : i32
    %shift_left3A_3 = vector.broadcast %shift_left3A : i32 to vector<16xi32>
    %shift_left3A_4 = arith.shli %and3A_2, %shift_left3A_3 : vector<16xi32>
    %and3A_5 = arith.constant 2 : i32
    %and3A_6 = vector.broadcast %and3A_5 : i32 to vector<16xi32>
    %and3A_7 = arith.andi %iota3A, %and3A_6 : vector<16xi32>
    %shift_left3A_8 = arith.constant 1 : i32
    %shift_left3A_9 = vector.broadcast %shift_left3A_8 : i32 to vector<16xi32>
    %shift_left3A_10 = arith.shli %and3A_7, %shift_left3A_9 : vector<16xi32>
    %or3A = arith.ori %shift_left3A_4, %shift_left3A_10 : vector<16xi32>
    %and3A_11 = arith.constant 4 : i32
    %and3A_12 = vector.broadcast %and3A_11 : i32 to vector<16xi32>
    %and3A_13 = arith.andi %iota3A, %and3A_12 : vector<16xi32>
    %shift_right_arithmetic3A = arith.constant 1 : i32
    %shift_right_arithmetic3A_14 = vector.broadcast %shift_right_arithmetic3A : i32 to vector<16xi32>
    %shift_right_arithmetic3A_15 = arith.shrsi %and3A_13, %shift_right_arithmetic3A_14 : vector<16xi32>
    %or3A_16 = arith.ori %or3A, %shift_right_arithmetic3A_15 : vector<16xi32>
    %and3A_17 = arith.constant 8 : i32
    %and3A_18 = vector.broadcast %and3A_17 : i32 to vector<16xi32>
    %and3A_19 = arith.andi %iota3A, %and3A_18 : vector<16xi32>
    %shift_right_arithmetic3A_20 = arith.constant 3 : i32
    %shift_right_arithmetic3A_21 = vector.broadcast %shift_right_arithmetic3A_20 : i32 to vector<16xi32>
    %shift_right_arithmetic3A_22 = arith.shrsi %and3A_19, %shift_right_arithmetic3A_21 : vector<16xi32>
    %or3A_23 = arith.ori %or3A_16, %shift_right_arithmetic3A_22 : vector<16xi32>
    %mul3A_24 = arith.constant 512 : i32
    %mul3A_25 = arith.muli %add3A, %mul3A_24 : i32
    %add3A_26 = arith.constant 0 : i32
    %add3A_27 = arith.addi %mul3A_25, %add3A_26 : i32
    %dma_start3A = arith.constant 0 : i32
    %dma_start3A_28 = arith.constant 0 : i32
    %dma_start3A_29 = arith.constant 0 : i32
    %dma_start3A_30 = arith.constant 0 : i32
    %dma_start3A_31 = tpu.memref_slice %arg4[%dma_start3A, %dma_start3A_29, %dma_start3A_30] : memref<6x16x1024xf32, #tpu.memory_space<vmem>> -> memref<1x16x1024xf32, #tpu.memory_space<vmem>>
    %dma_start3A_32 = tpu.memref_squeeze %dma_start3A_31 : memref<1x16x1024xf32, #tpu.memory_space<vmem>> -> memref<16x1024xf32, #tpu.memory_space<vmem>>
    %dma_start3A_33 = arith.constant 0 : i32
    %dma_start3A_34 = tpu.memref_slice %arg2[%add3A_27, %dma_start3A_33] : memref<16384x1024xf32, #tpu.memory_space<hbm>> -> memref<16x1024xf32, #tpu.memory_space<hbm>>
    %dma_start3A_35 = tpu.memref_slice %arg7[%dma_start3A_28] : memref<6x!tpu.dma_semaphore, #tpu.memory_space<semaphore_mem>> -> memref<1x!tpu.dma_semaphore, #tpu.memory_space<semaphore_mem>>
    %dma_start3A_36 = tpu.memref_squeeze %dma_start3A_35 : memref<1x!tpu.dma_semaphore, #tpu.memory_space<semaphore_mem>> -> memref<!tpu.dma_semaphore, #tpu.memory_space<semaphore_mem>>
    %dma_start3A_37 = arith.constant 0 : i32
    %dma_start3A_38 = arith.constant 0 : i32
    %dma_start3A_39 = tpu.memref_slice %arg4[%dma_start3A, %dma_start3A_37, %dma_start3A_38] : memref<6x16x1024xf32, #tpu.memory_space<vmem>> -> memref<1x16x1024xf32, #tpu.memory_space<vmem>>
    %dma_start3A_40 = tpu.memref_squeeze %dma_start3A_39 : memref<1x16x1024xf32, #tpu.memory_space<vmem>> -> memref<16x1024xf32, #tpu.memory_space<vmem>>
    %dma_start3A_41 = arith.constant 0 : i32
    %dma_start3A_42 = tpu.memref_slice %arg2[%add3A_27, %dma_start3A_41] : memref<16384x1024xf32, #tpu.memory_space<hbm>> -> memref<16x1024xf32, #tpu.memory_space<hbm>>
    tpu.enqueue_dma source(%dma_start3A_42 : memref<16x1024xf32, #tpu.memory_space<hbm>>) target(%dma_start3A_40 : memref<16x1024xf32, #tpu.memory_space<vmem>>) target_semaphore(%dma_start3A_36 : memref<!tpu.dma_semaphore, #tpu.memory_space<semaphore_mem>>)
    %mul3A_43 = arith.constant 512 : i32
    %mul3A_44 = arith.muli %add3A, %mul3A_43 : i32
    %add3A_45 = arith.constant 16 : i32
    %add3A_46 = arith.addi %mul3A_44, %add3A_45 : i32
    %dma_start3A_47 = arith.constant 1 : i32
    %dma_start3A_48 = arith.constant 1 : i32
    %dma_start3A_49 = arith.constant 0 : i32
    %dma_start3A_50 = arith.constant 0 : i32
    %dma_start3A_51 = tpu.memref_slice %arg4[%dma_start3A_47, %dma_start3A_49, %dma_start3A_50] : memref<6x16x1024xf32, #tpu.memory_space<vmem>> -> memref<1x16x1024xf32, #tpu.memory_space<vmem>>
    %dma_start3A_52 = tpu.memref_squeeze %dma_start3A_51 : memref<1x16x1024xf32, #tpu.memory_space<vmem>> -> memref<16x1024xf32, #tpu.memory_space<vmem>>
    %dma_start3A_53 = arith.constant 0 : i32
    %dma_start3A_54 = tpu.memref_slice %arg2[%add3A_46, %dma_start3A_53] : memref<16384x1024xf32, #tpu.memory_space<hbm>> -> memref<16x1024xf32, #tpu.memory_space<hbm>>
    %dma_start3A_55 = tpu.memref_slice %arg7[%dma_start3A_48] : memref<6x!tpu.dma_semaphore, #tpu.memory_space<semaphore_mem>> -> memref<1x!tpu.dma_semaphore, #tpu.memory_space<semaphore_mem>>
    %dma_start3A_56 = tpu.memref_squeeze %dma_start3A_55 : memref<1x!tpu.dma_semaphore, #tpu.memory_space<semaphore_mem>> -> memref<!tpu.dma_semaphore, #tpu.memory_space<semaphore_mem>>
    %dma_start3A_57 = arith.constant 0 : i32
    %dma_start3A_58 = arith.constant 0 : i32
    %dma_start3A_59 = tpu.memref_slice %arg4[%dma_start3A_47, %dma_start3A_57, %dma_start3A_58] : memref<6x16x1024xf32, #tpu.memory_space<vmem>> -> memref<1x16x1024xf32, #tpu.memory_space<vmem>>
    %dma_start3A_60 = tpu.memref_squeeze %dma_start3A_59 : memref<1x16x1024xf32, #tpu.memory_space<vmem>> -> memref<16x1024xf32, #tpu.memory_space<vmem>>
    %dma_start3A_61 = arith.constant 0 : i32
    %dma_start3A_62 = tpu.memref_slice %arg2[%add3A_46, %dma_start3A_61] : memref<16384x1024xf32, #tpu.memory_space<hbm>> -> memref<16x1024xf32, #tpu.memory_space<hbm>>
    tpu.enqueue_dma source(%dma_start3A_62 : memref<16x1024xf32, #tpu.memory_space<hbm>>) target(%dma_start3A_60 : memref<16x1024xf32, #tpu.memory_space<vmem>>) target_semaphore(%dma_start3A_56 : memref<!tpu.dma_semaphore, #tpu.memory_space<semaphore_mem>>)
    %mul3A_63 = arith.constant 512 : i32
    %mul3A_64 = arith.muli %add3A, %mul3A_63 : i32
    %add3A_65 = arith.constant 32 : i32
    %add3A_66 = arith.addi %mul3A_64, %add3A_65 : i32
    %dma_start3A_67 = arith.constant 2 : i32
    %dma_start3A_68 = arith.constant 2 : i32
    %dma_start3A_69 = arith.constant 0 : i32
    %dma_start3A_70 = arith.constant 0 : i32
    %dma_start3A_71 = tpu.memref_slice %arg4[%dma_start3A_67, %dma_start3A_69, %dma_start3A_70] : memref<6x16x1024xf32, #tpu.memory_space<vmem>> -> memref<1x16x1024xf32, #tpu.memory_space<vmem>>
    %dma_start3A_72 = tpu.memref_squeeze %dma_start3A_71 : memref<1x16x1024xf32, #tpu.memory_space<vmem>> -> memref<16x1024xf32, #tpu.memory_space<vmem>>
    %dma_start3A_73 = arith.constant 0 : i32
    %dma_start3A_74 = tpu.memref_slice %arg2[%add3A_66, %dma_start3A_73] : memref<16384x1024xf32, #tpu.memory_space<hbm>> -> memref<16x1024xf32, #tpu.memory_space<hbm>>
    %dma_start3A_75 = tpu.memref_slice %arg7[%dma_start3A_68] : memref<6x!tpu.dma_semaphore, #tpu.memory_space<semaphore_mem>> -> memref<1x!tpu.dma_semaphore, #tpu.memory_space<semaphore_mem>>
    %dma_start3A_76 = tpu.memref_squeeze %dma_start3A_75 : memref<1x!tpu.dma_semaphore, #tpu.memory_space<semaphore_mem>> -> memref<!tpu.dma_semaphore, #tpu.memory_space<semaphore_mem>>
    %dma_start3A_77 = arith.constant 0 : i32
    %dma_start3A_78 = arith.constant 0 : i32
    %dma_start3A_79 = tpu.memref_slice %arg4[%dma_start3A_67, %dma_start3A_77, %dma_start3A_78] : memref<6x16x1024xf32, #tpu.memory_space<vmem>> -> memref<1x16x1024xf32, #tpu.memory_space<vmem>>
    %dma_start3A_80 = tpu.memref_squeeze %dma_start3A_79 : memref<1x16x1024xf32, #tpu.memory_space<vmem>> -> memref<16x1024xf32, #tpu.memory_space<vmem>>
    %dma_start3A_81 = arith.constant 0 : i32
    %dma_start3A_82 = tpu.memref_slice %arg2[%add3A_66, %dma_start3A_81] : memref<16384x1024xf32, #tpu.memory_space<hbm>> -> memref<16x1024xf32, #tpu.memory_space<hbm>>
    tpu.enqueue_dma source(%dma_start3A_82 : memref<16x1024xf32, #tpu.memory_space<hbm>>) target(%dma_start3A_80 : memref<16x1024xf32, #tpu.memory_space<vmem>>) target_semaphore(%dma_start3A_76 : memref<!tpu.dma_semaphore, #tpu.memory_space<semaphore_mem>>)
    %mul3A_83 = arith.constant 512 : i32
    %mul3A_84 = arith.muli %add3A, %mul3A_83 : i32
    %add3A_85 = arith.constant 48 : i32
    %add3A_86 = arith.addi %mul3A_84, %add3A_85 : i32
    %dma_start3A_87 = arith.constant 3 : i32
    %dma_start3A_88 = arith.constant 3 : i32
    %dma_start3A_89 = arith.constant 0 : i32
    %dma_start3A_90 = arith.constant 0 : i32
    %dma_start3A_91 = tpu.memref_slice %arg4[%dma_start3A_87, %dma_start3A_89, %dma_start3A_90] : memref<6x16x1024xf32, #tpu.memory_space<vmem>> -> memref<1x16x1024xf32, #tpu.memory_space<vmem>>
    %dma_start3A_92 = tpu.memref_squeeze %dma_start3A_91 : memref<1x16x1024xf32, #tpu.memory_space<vmem>> -> memref<16x1024xf32, #tpu.memory_space<vmem>>
    %dma_start3A_93 = arith.constant 0 : i32
    %dma_start3A_94 = tpu.memref_slice %arg2[%add3A_86, %dma_start3A_93] : memref<16384x1024xf32, #tpu.memory_space<hbm>> -> memref<16x1024xf32, #tpu.memory_space<hbm>>
    %dma_start3A_95 = tpu.memref_slice %arg7[%dma_start3A_88] : memref<6x!tpu.dma_semaphore, #tpu.memory_space<semaphore_mem>> -> memref<1x!tpu.dma_semaphore, #tpu.memory_space<semaphore_mem>>
    %dma_start3A_96 = tpu.memref_squeeze %dma_start3A_95 : memref<1x!tpu.dma_semaphore, #tpu.memory_space<semaphore_mem>> -> memref<!tpu.dma_semaphore, #tpu.memory_space<semaphore_mem>>
    %dma_start3A_97 = arith.constant 0 : i32
    %dma_start3A_98 = arith.constant 0 : i32
    %dma_start3A_99 = tpu.memref_slice %arg4[%dma_start3A_87, %dma_start3A_97, %dma_start3A_98] : memref<6x16x1024xf32, #tpu.memory_space<vmem>> -> memref<1x16x1024xf32, #tpu.memory_space<vmem>>
    %dma_start3A_100 = tpu.memref_squeeze %dma_start3A_99 : memref<1x16x1024xf32, #tpu.memory_space<vmem>> -> memref<16x1024xf32, #tpu.memory_space<vmem>>
    %dma_start3A_101 = arith.constant 0 : i32
    %dma_start3A_102 = tpu.memref_slice %arg2[%add3A_86, %dma_start3A_101] : memref<16384x1024xf32, #tpu.memory_space<hbm>> -> memref<16x1024xf32, #tpu.memory_space<hbm>>
    tpu.enqueue_dma source(%dma_start3A_102 : memref<16x1024xf32, #tpu.memory_space<hbm>>) target(%dma_start3A_100 : memref<16x1024xf32, #tpu.memory_space<vmem>>) target_semaphore(%dma_start3A_96 : memref<!tpu.dma_semaphore, #tpu.memory_space<semaphore_mem>>)
    %mul3A_103 = arith.constant 512 : i32
    %mul3A_104 = arith.muli %add3A, %mul3A_103 : i32
    %add3A_105 = arith.constant 64 : i32
    %add3A_106 = arith.addi %mul3A_104, %add3A_105 : i32
    %dma_start3A_107 = arith.constant 4 : i32
    %dma_start3A_108 = arith.constant 4 : i32
    %dma_start3A_109 = arith.constant 0 : i32
    %dma_start3A_110 = arith.constant 0 : i32
    %dma_start3A_111 = tpu.memref_slice %arg4[%dma_start3A_107, %dma_start3A_109, %dma_start3A_110] : memref<6x16x1024xf32, #tpu.memory_space<vmem>> -> memref<1x16x1024xf32, #tpu.memory_space<vmem>>
    %dma_start3A_112 = tpu.memref_squeeze %dma_start3A_111 : memref<1x16x1024xf32, #tpu.memory_space<vmem>> -> memref<16x1024xf32, #tpu.memory_space<vmem>>
    %dma_start3A_113 = arith.constant 0 : i32
    %dma_start3A_114 = tpu.memref_slice %arg2[%add3A_106, %dma_start3A_113] : memref<16384x1024xf32, #tpu.memory_space<hbm>> -> memref<16x1024xf32, #tpu.memory_space<hbm>>
    %dma_start3A_115 = tpu.memref_slice %arg7[%dma_start3A_108] : memref<6x!tpu.dma_semaphore, #tpu.memory_space<semaphore_mem>> -> memref<1x!tpu.dma_semaphore, #tpu.memory_space<semaphore_mem>>
    %dma_start3A_116 = tpu.memref_squeeze %dma_start3A_115 : memref<1x!tpu.dma_semaphore, #tpu.memory_space<semaphore_mem>> -> memref<!tpu.dma_semaphore, #tpu.memory_space<semaphore_mem>>
    %dma_start3A_117 = arith.constant 0 : i32
    %dma_start3A_118 = arith.constant 0 : i32
    %dma_start3A_119 = tpu.memref_slice %arg4[%dma_start3A_107, %dma_start3A_117, %dma_start3A_118] : memref<6x16x1024xf32, #tpu.memory_space<vmem>> -> memref<1x16x1024xf32, #tpu.memory_space<vmem>>
    %dma_start3A_120 = tpu.memref_squeeze %dma_start3A_119 : memref<1x16x1024xf32, #tpu.memory_space<vmem>> -> memref<16x1024xf32, #tpu.memory_space<vmem>>
    %dma_start3A_121 = arith.constant 0 : i32
    %dma_start3A_122 = tpu.memref_slice %arg2[%add3A_106, %dma_start3A_121] : memref<16384x1024xf32, #tpu.memory_space<hbm>> -> memref<16x1024xf32, #tpu.memory_space<hbm>>
    tpu.enqueue_dma source(%dma_start3A_122 : memref<16x1024xf32, #tpu.memory_space<hbm>>) target(%dma_start3A_120 : memref<16x1024xf32, #tpu.memory_space<vmem>>) target_semaphore(%dma_start3A_116 : memref<!tpu.dma_semaphore, #tpu.memory_space<semaphore_mem>>)
    %mul3A_123 = arith.constant 512 : i32
    %mul3A_124 = arith.muli %add3A, %mul3A_123 : i32
    %add3A_125 = arith.constant 80 : i32
    %add3A_126 = arith.addi %mul3A_124, %add3A_125 : i32
    %dma_start3A_127 = arith.constant 5 : i32
    %dma_start3A_128 = arith.constant 5 : i32
    %dma_start3A_129 = arith.constant 0 : i32
    %dma_start3A_130 = arith.constant 0 : i32
    %dma_start3A_131 = tpu.memref_slice %arg4[%dma_start3A_127, %dma_start3A_129, %dma_start3A_130] : memref<6x16x1024xf32, #tpu.memory_space<vmem>> -> memref<1x16x1024xf32, #tpu.memory_space<vmem>>
    %dma_start3A_132 = tpu.memref_squeeze %dma_start3A_131 : memref<1x16x1024xf32, #tpu.memory_space<vmem>> -> memref<16x1024xf32, #tpu.memory_space<vmem>>
    %dma_start3A_133 = arith.constant 0 : i32
    %dma_start3A_134 = tpu.memref_slice %arg2[%add3A_126, %dma_start3A_133] : memref<16384x1024xf32, #tpu.memory_space<hbm>> -> memref<16x1024xf32, #tpu.memory_space<hbm>>
    %dma_start3A_135 = tpu.memref_slice %arg7[%dma_start3A_128] : memref<6x!tpu.dma_semaphore, #tpu.memory_space<semaphore_mem>> -> memref<1x!tpu.dma_semaphore, #tpu.memory_space<semaphore_mem>>
    %dma_start3A_136 = tpu.memref_squeeze %dma_start3A_135 : memref<1x!tpu.dma_semaphore, #tpu.memory_space<semaphore_mem>> -> memref<!tpu.dma_semaphore, #tpu.memory_space<semaphore_mem>>
    %dma_start3A_137 = arith.constant 0 : i32
    %dma_start3A_138 = arith.constant 0 : i32
    %dma_start3A_139 = tpu.memref_slice %arg4[%dma_start3A_127, %dma_start3A_137, %dma_start3A_138] : memref<6x16x1024xf32, #tpu.memory_space<vmem>> -> memref<1x16x1024xf32, #tpu.memory_space<vmem>>
    %dma_start3A_140 = tpu.memref_squeeze %dma_start3A_139 : memref<1x16x1024xf32, #tpu.memory_space<vmem>> -> memref<16x1024xf32, #tpu.memory_space<vmem>>
    %dma_start3A_141 = arith.constant 0 : i32
    %dma_start3A_142 = tpu.memref_slice %arg2[%add3A_126, %dma_start3A_141] : memref<16384x1024xf32, #tpu.memory_space<hbm>> -> memref<16x1024xf32, #tpu.memory_space<hbm>>
    tpu.enqueue_dma source(%dma_start3A_142 : memref<16x1024xf32, #tpu.memory_space<hbm>>) target(%dma_start3A_140 : memref<16x1024xf32, #tpu.memory_space<vmem>>) target_semaphore(%dma_start3A_136 : memref<!tpu.dma_semaphore, #tpu.memory_space<semaphore_mem>>)
    %scan3A = arith.constant 0 : i32
    %scan3A_143 = arith.constant 0 : i32
    %scan3A_144 = arith.constant 32 : i32
    %scan3A_145 = arith.addi %scan3A_143, %scan3A_144 : i32
    %scan3A_146 = arith.constant 1 : i32
    scf.for %scan3A_150 = %scan3A_143 to %scan3A_145 step %scan3A_146  : i32 {
      %jit3A = arith.constant 6 : i32
      %eq3A = arith.constant 0 : i32
      %eq3A_151 = arith.cmpi eq, %jit3A, %eq3A : i32
      %jit3A_152 = arith.constant 1 : i32
      %select_n3A = arith.select %eq3A_151, %jit3A_152, %jit3A : i32
      %rem3A = arith.remsi %scan3A_150, %select_n3A : i32
      %ne3A = arith.constant 0 : i32
      %ne3A_153 = arith.cmpi ne, %rem3A, %ne3A : i32
      %lt3A = arith.constant 0 : i32
      %lt3A_154 = arith.cmpi slt, %rem3A, %lt3A : i32
      %lt3A_155 = arith.constant 0 : i32
      %lt3A_156 = arith.cmpi slt, %select_n3A, %lt3A_155 : i32
      %ne3A_157 = arith.xori %lt3A_154, %lt3A_156 : i1
      %and3A_158 = arith.andi %ne3A_157, %ne3A_153 : i1
      %add3A_159 = arith.addi %rem3A, %select_n3A : i32
      %select_n3A_160 = arith.select %and3A_158, %add3A_159, %rem3A : i32
      %mul3A_161 = arith.constant 512 : i32
      %mul3A_162 = arith.muli %add3A, %mul3A_161 : i32
      %mul3A_163 = arith.constant 16 : i32
      %mul3A_164 = arith.muli %scan3A_150, %mul3A_163 : i32
      %add3A_165 = arith.addi %mul3A_162, %mul3A_164 : i32
      %jit3A_166 = arith.constant 6 : i32
      %eq3A_167 = arith.constant 0 : i32
      %eq3A_168 = arith.cmpi eq, %jit3A_166, %eq3A_167 : i32
      %jit3A_169 = arith.constant 1 : i32
      %select_n3A_170 = arith.select %eq3A_168, %jit3A_169, %jit3A_166 : i32
      %rem3A_171 = arith.remsi %scan3A_150, %select_n3A_170 : i32
      %ne3A_172 = arith.constant 0 : i32
      %ne3A_173 = arith.cmpi ne, %rem3A_171, %ne3A_172 : i32
      %lt3A_174 = arith.constant 0 : i32
      %lt3A_175 = arith.cmpi slt, %rem3A_171, %lt3A_174 : i32
      %lt3A_176 = arith.constant 0 : i32
      %lt3A_177 = arith.cmpi slt, %select_n3A_170, %lt3A_176 : i32
      %ne3A_178 = arith.xori %lt3A_175, %lt3A_177 : i1
      %and3A_179 = arith.andi %ne3A_178, %ne3A_173 : i1
      %add3A_180 = arith.addi %rem3A_171, %select_n3A_170 : i32
      %select_n3A_181 = arith.select %and3A_179, %add3A_180, %rem3A_171 : i32
      %dma_wait3A = arith.constant 0 : i32
      %dma_wait3A_182 = arith.constant 0 : i32
      %dma_wait3A_183 = tpu.memref_slice %arg4[%select_n3A_181, %dma_wait3A, %dma_wait3A_182] : memref<6x16x1024xf32, #tpu.memory_space<vmem>> -> memref<1x16x1024xf32, #tpu.memory_space<vmem>>
      %dma_wait3A_184 = tpu.memref_squeeze %dma_wait3A_183 : memref<1x16x1024xf32, #tpu.memory_space<vmem>> -> memref<16x1024xf32, #tpu.memory_space<vmem>>
      %dma_wait3A_185 = arith.constant 0 : i32
      %dma_wait3A_186 = tpu.memref_slice %arg2[%add3A_165, %dma_wait3A_185] : memref<16384x1024xf32, #tpu.memory_space<hbm>> -> memref<16x1024xf32, #tpu.memory_space<hbm>>
      %dma_wait3A_187 = tpu.memref_slice %arg7[%select_n3A_181] : memref<6x!tpu.dma_semaphore, #tpu.memory_space<semaphore_mem>> -> memref<1x!tpu.dma_semaphore, #tpu.memory_space<semaphore_mem>>
      %dma_wait3A_188 = tpu.memref_squeeze %dma_wait3A_187 : memref<1x!tpu.dma_semaphore, #tpu.memory_space<semaphore_mem>> -> memref<!tpu.dma_semaphore, #tpu.memory_space<semaphore_mem>>
      %dma_wait3A_189 = arith.constant 0 : i32
      %dma_wait3A_190 = arith.constant 0 : i32
      %dma_wait3A_191 = tpu.memref_slice %arg4[%select_n3A_181, %dma_wait3A_189, %dma_wait3A_190] : memref<6x16x1024xf32, #tpu.memory_space<vmem>> -> memref<1x16x1024xf32, #tpu.memory_space<vmem>>
      %dma_wait3A_192 = tpu.memref_squeeze %dma_wait3A_191 : memref<1x16x1024xf32, #tpu.memory_space<vmem>> -> memref<16x1024xf32, #tpu.memory_space<vmem>>
      %dma_wait3A_193 = arith.constant 0 : i32
      %dma_wait3A_194 = tpu.memref_slice %arg2[%add3A_165, %dma_wait3A_193] : memref<16384x1024xf32, #tpu.memory_space<hbm>> -> memref<16x1024xf32, #tpu.memory_space<hbm>>
      tpu.wait_dma2 semaphore(%dma_wait3A_188 : memref<!tpu.dma_semaphore, #tpu.memory_space<semaphore_mem>>) src(%dma_wait3A_194 : memref<16x1024xf32, #tpu.memory_space<hbm>>) dst(%dma_wait3A_192 : memref<16x1024xf32, #tpu.memory_space<vmem>>)
      %parallel_loop3A = arith.constant 0 : i32
      %parallel_loop3A_195 = arith.constant 16 : i32
      %parallel_loop3A_196 = arith.constant 1 : i32
      scf.for %parallel_loop3A_770 = %parallel_loop3A to %parallel_loop3A_195 step %parallel_loop3A_196  : i32 {
        %parallel_loop3A_771 = arith.constant 0.000000e+00 : f32
        %parallel_loop3A_772 = vector.broadcast %parallel_loop3A_771 : f32 to vector<16xf32>
        %parallel_loop3A_773 = arith.constant 0.000000e+00 : f32
        %parallel_loop3A_774 = vector.broadcast %parallel_loop3A_773 : f32 to vector<16xf32>
        %parallel_loop3A_775 = arith.constant 0.000000e+00 : f32
        %parallel_loop3A_776 = vector.broadcast %parallel_loop3A_775 : f32 to vector<16xf32>
        %parallel_loop3A_777 = arith.constant 0.000000e+00 : f32
        %parallel_loop3A_778 = vector.broadcast %parallel_loop3A_777 : f32 to vector<16xf32>
        %parallel_loop3A_779 = arith.index_cast %select_n3A_160 : i32 to index
        %parallel_loop3A_780 = arith.index_cast %parallel_loop3A_770 : i32 to index
        %parallel_loop3A_781 = arith.constant 0 : index
        %parallel_loop3A_782 = tpu.vector_load %arg4[%parallel_loop3A_779, %parallel_loop3A_780, %parallel_loop3A_781] {strides = array<i32>} : memref<6x16x1024xf32, #tpu.memory_space<vmem>>, vector<16xf32>,
        %parallel_loop3A_783 = arith.addf %parallel_loop3A_772, %parallel_loop3A_782 : vector<16xf32>
        %parallel_loop3A_784 = arith.index_cast %select_n3A_160 : i32 to index
        %parallel_loop3A_785 = arith.index_cast %parallel_loop3A_770 : i32 to index
        %parallel_loop3A_786 = arith.constant 16 : index
        %parallel_loop3A_787 = tpu.vector_load %arg4[%parallel_loop3A_784, %parallel_loop3A_785, %parallel_loop3A_786] {strides = array<i32>} : memref<6x16x1024xf32, #tpu.memory_space<vmem>>, vector<16xf32>,
        %parallel_loop3A_788 = arith.addf %parallel_loop3A_774, %parallel_loop3A_787 : vector<16xf32>
        %parallel_loop3A_789 = arith.index_cast %select_n3A_160 : i32 to index
        %parallel_loop3A_790 = arith.index_cast %parallel_loop3A_770 : i32 to index
        %parallel_loop3A_791 = arith.constant 32 : index
        %parallel_loop3A_792 = tpu.vector_load %arg4[%parallel_loop3A_789, %parallel_loop3A_790, %parallel_loop3A_791] {strides = array<i32>} : memref<6x16x1024xf32, #tpu.memory_space<vmem>>, vector<16xf32>,
        %parallel_loop3A_793 = arith.addf %parallel_loop3A_776, %parallel_loop3A_792 : vector<16xf32>
        %parallel_loop3A_794 = arith.index_cast %select_n3A_160 : i32 to index
        %parallel_loop3A_795 = arith.index_cast %parallel_loop3A_770 : i32 to index
        %parallel_loop3A_796 = arith.constant 48 : index
        %parallel_loop3A_797 = tpu.vector_load %arg4[%parallel_loop3A_794, %parallel_loop3A_795, %parallel_loop3A_796] {strides = array<i32>} : memref<6x16x1024xf32, #tpu.memory_space<vmem>>, vector<16xf32>,
        %parallel_loop3A_798 = arith.addf %parallel_loop3A_778, %parallel_loop3A_797 : vector<16xf32>
        %parallel_loop3A_799 = arith.index_cast %select_n3A_160 : i32 to index
        %parallel_loop3A_800 = arith.index_cast %parallel_loop3A_770 : i32 to index
        %parallel_loop3A_801 = arith.constant 64 : index
        %parallel_loop3A_802 = tpu.vector_load %arg4[%parallel_loop3A_799, %parallel_loop3A_800, %parallel_loop3A_801] {strides = array<i32>} : memref<6x16x1024xf32, #tpu.memory_space<vmem>>, vector<16xf32>,
        %parallel_loop3A_803 = arith.addf %parallel_loop3A_783, %parallel_loop3A_802 : vector<16xf32>
        %parallel_loop3A_804 = arith.index_cast %select_n3A_160 : i32 to index
        %parallel_loop3A_805 = arith.index_cast %parallel_loop3A_770 : i32 to index
        %parallel_loop3A_806 = arith.constant 80 : index
        %parallel_loop3A_807 = tpu.vector_load %arg4[%parallel_loop3A_804, %parallel_loop3A_805, %parallel_loop3A_806] {strides = array<i32>} : memref<6x16x1024xf32, #tpu.memory_space<vmem>>, vector<16xf32>,
        %parallel_loop3A_808 = arith.addf %parallel_loop3A_788, %parallel_loop3A_807 : vector<16xf32>
        %parallel_loop3A_809 = arith.index_cast %select_n3A_160 : i32 to index
        %parallel_loop3A_810 = arith.index_cast %parallel_loop3A_770 : i32 to index
        %parallel_loop3A_811 = arith.constant 96 : index
        %parallel_loop3A_812 = tpu.vector_load %arg4[%parallel_loop3A_809, %parallel_loop3A_810, %parallel_loop3A_811] {strides = array<i32>} : memref<6x16x1024xf32, #tpu.memory_space<vmem>>, vector<16xf32>,
        %parallel_loop3A_813 = arith.addf %parallel_loop3A_793, %parallel_loop3A_812 : vector<16xf32>
        %parallel_loop3A_814 = arith.index_cast %select_n3A_160 : i32 to index
        %parallel_loop3A_815 = arith.index_cast %parallel_loop3A_770 : i32 to index
        %parallel_loop3A_816 = arith.constant 112 : index
        %parallel_loop3A_817 = tpu.vector_load %arg4[%parallel_loop3A_814, %parallel_loop3A_815, %parallel_loop3A_816] {strides = array<i32>} : memref<6x16x1024xf32, #tpu.memory_space<vmem>>, vector<16xf32>,
        %parallel_loop3A_818 = arith.addf %parallel_loop3A_798, %parallel_loop3A_817 : vector<16xf32>
        %parallel_loop3A_819 = arith.index_cast %select_n3A_160 : i32 to index
        %parallel_loop3A_820 = arith.index_cast %parallel_loop3A_770 : i32 to index
        %parallel_loop3A_821 = arith.constant 128 : index
        %parallel_loop3A_822 = tpu.vector_load %arg4[%parallel_loop3A_819, %parallel_loop3A_820, %parallel_loop3A_821] {strides = array<i32>} : memref<6x16x1024xf32, #tpu.memory_space<vmem>>, vector<16xf32>,
        %parallel_loop3A_823 = arith.addf %parallel_loop3A_803, %parallel_loop3A_822 : vector<16xf32>
        %parallel_loop3A_824 = arith.index_cast %select_n3A_160 : i32 to index
        %parallel_loop3A_825 = arith.index_cast %parallel_loop3A_770 : i32 to index
        %parallel_loop3A_826 = arith.constant 144 : index
        %parallel_loop3A_827 = tpu.vector_load %arg4[%parallel_loop3A_824, %parallel_loop3A_825, %parallel_loop3A_826] {strides = array<i32>} : memref<6x16x1024xf32, #tpu.memory_space<vmem>>, vector<16xf32>,
        %parallel_loop3A_828 = arith.addf %parallel_loop3A_808, %parallel_loop3A_827 : vector<16xf32>
        %parallel_loop3A_829 = arith.index_cast %select_n3A_160 : i32 to index
        %parallel_loop3A_830 = arith.index_cast %parallel_loop3A_770 : i32 to index
        %parallel_loop3A_831 = arith.constant 160 : index
        %parallel_loop3A_832 = tpu.vector_load %arg4[%parallel_loop3A_829, %parallel_loop3A_830, %parallel_loop3A_831] {strides = array<i32>} : memref<6x16x1024xf32, #tpu.memory_space<vmem>>, vector<16xf32>,
        %parallel_loop3A_833 = arith.addf %parallel_loop3A_813, %parallel_loop3A_832 : vector<16xf32>
        %parallel_loop3A_834 = arith.index_cast %select_n3A_160 : i32 to index
        %parallel_loop3A_835 = arith.index_cast %parallel_loop3A_770 : i32 to index
        %parallel_loop3A_836 = arith.constant 176 : index
        %parallel_loop3A_837 = tpu.vector_load %arg4[%parallel_loop3A_834, %parallel_loop3A_835, %parallel_loop3A_836] {strides = array<i32>} : memref<6x16x1024xf32, #tpu.memory_space<vmem>>, vector<16xf32>,
        %parallel_loop3A_838 = arith.addf %parallel_loop3A_818, %parallel_loop3A_837 : vector<16xf32>
        %parallel_loop3A_839 = arith.index_cast %select_n3A_160 : i32 to index
        %parallel_loop3A_840 = arith.index_cast %parallel_loop3A_770 : i32 to index
        %parallel_loop3A_841 = arith.constant 192 : index
        %parallel_loop3A_842 = tpu.vector_load %arg4[%parallel_loop3A_839, %parallel_loop3A_840, %parallel_loop3A_841] {strides = array<i32>} : memref<6x16x1024xf32, #tpu.memory_space<vmem>>, vector<16xf32>,
        %parallel_loop3A_843 = arith.addf %parallel_loop3A_823, %parallel_loop3A_842 : vector<16xf32>
        %parallel_loop3A_844 = arith.index_cast %select_n3A_160 : i32 to index
        %parallel_loop3A_845 = arith.index_cast %parallel_loop3A_770 : i32 to index
        %parallel_loop3A_846 = arith.constant 208 : index
        %parallel_loop3A_847 = tpu.vector_load %arg4[%parallel_loop3A_844, %parallel_loop3A_845, %parallel_loop3A_846] {strides = array<i32>} : memref<6x16x1024xf32, #tpu.memory_space<vmem>>, vector<16xf32>,
        %parallel_loop3A_848 = arith.addf %parallel_loop3A_828, %parallel_loop3A_847 : vector<16xf32>
        %parallel_loop3A_849 = arith.index_cast %select_n3A_160 : i32 to index
        %parallel_loop3A_850 = arith.index_cast %parallel_loop3A_770 : i32 to index
        %parallel_loop3A_851 = arith.constant 224 : index
        %parallel_loop3A_852 = tpu.vector_load %arg4[%parallel_loop3A_849, %parallel_loop3A_850, %parallel_loop3A_851] {strides = array<i32>} : memref<6x16x1024xf32, #tpu.memory_space<vmem>>, vector<16xf32>,
        %parallel_loop3A_853 = arith.addf %parallel_loop3A_833, %parallel_loop3A_852 : vector<16xf32>
        %parallel_loop3A_854 = arith.index_cast %select_n3A_160 : i32 to index
        %parallel_loop3A_855 = arith.index_cast %parallel_loop3A_770 : i32 to index
        %parallel_loop3A_856 = arith.constant 240 : index
        %parallel_loop3A_857 = tpu.vector_load %arg4[%parallel_loop3A_854, %parallel_loop3A_855, %parallel_loop3A_856] {strides = array<i32>} : memref<6x16x1024xf32, #tpu.memory_space<vmem>>, vector<16xf32>,
        %parallel_loop3A_858 = arith.addf %parallel_loop3A_838, %parallel_loop3A_857 : vector<16xf32>
        %parallel_loop3A_859 = arith.index_cast %select_n3A_160 : i32 to index
        %parallel_loop3A_860 = arith.index_cast %parallel_loop3A_770 : i32 to index
        %parallel_loop3A_861 = arith.constant 256 : index
        %parallel_loop3A_862 = tpu.vector_load %arg4[%parallel_loop3A_859, %parallel_loop3A_860, %parallel_loop3A_861] {strides = array<i32>} : memref<6x16x1024xf32, #tpu.memory_space<vmem>>, vector<16xf32>,
        %parallel_loop3A_863 = arith.addf %parallel_loop3A_843, %parallel_loop3A_862 : vector<16xf32>
        %parallel_loop3A_864 = arith.index_cast %select_n3A_160 : i32 to index
        %parallel_loop3A_865 = arith.index_cast %parallel_loop3A_770 : i32 to index
        %parallel_loop3A_866 = arith.constant 272 : index
        %parallel_loop3A_867 = tpu.vector_load %arg4[%parallel_loop3A_864, %parallel_loop3A_865, %parallel_loop3A_866] {strides = array<i32>} : memref<6x16x1024xf32, #tpu.memory_space<vmem>>, vector<16xf32>,
        %parallel_loop3A_868 = arith.addf %parallel_loop3A_848, %parallel_loop3A_867 : vector<16xf32>
        %parallel_loop3A_869 = arith.index_cast %select_n3A_160 : i32 to index
        %parallel_loop3A_870 = arith.index_cast %parallel_loop3A_770 : i32 to index
        %parallel_loop3A_871 = arith.constant 288 : index
        %parallel_loop3A_872 = tpu.vector_load %arg4[%parallel_loop3A_869, %parallel_loop3A_870, %parallel_loop3A_871] {strides = array<i32>} : memref<6x16x1024xf32, #tpu.memory_space<vmem>>, vector<16xf32>,
        %parallel_loop3A_873 = arith.addf %parallel_loop3A_853, %parallel_loop3A_872 : vector<16xf32>
        %parallel_loop3A_874 = arith.index_cast %select_n3A_160 : i32 to index
        %parallel_loop3A_875 = arith.index_cast %parallel_loop3A_770 : i32 to index
        %parallel_loop3A_876 = arith.constant 304 : index
        %parallel_loop3A_877 = tpu.vector_load %arg4[%parallel_loop3A_874, %parallel_loop3A_875, %parallel_loop3A_876] {strides = array<i32>} : memref<6x16x1024xf32, #tpu.memory_space<vmem>>, vector<16xf32>,
        %parallel_loop3A_878 = arith.addf %parallel_loop3A_858, %parallel_loop3A_877 : vector<16xf32>
        %parallel_loop3A_879 = arith.index_cast %select_n3A_160 : i32 to index
        %parallel_loop3A_880 = arith.index_cast %parallel_loop3A_770 : i32 to index
        %parallel_loop3A_881 = arith.constant 320 : index
        %parallel_loop3A_882 = tpu.vector_load %arg4[%parallel_loop3A_879, %parallel_loop3A_880, %parallel_loop3A_881] {strides = array<i32>} : memref<6x16x1024xf32, #tpu.memory_space<vmem>>, vector<16xf32>,
        %parallel_loop3A_883 = arith.addf %parallel_loop3A_863, %parallel_loop3A_882 : vector<16xf32>
        %parallel_loop3A_884 = arith.index_cast %select_n3A_160 : i32 to index
        %parallel_loop3A_885 = arith.index_cast %parallel_loop3A_770 : i32 to index
        %parallel_loop3A_886 = arith.constant 336 : index
        %parallel_loop3A_887 = tpu.vector_load %arg4[%parallel_loop3A_884, %parallel_loop3A_885, %parallel_loop3A_886] {strides = array<i32>} : memref<6x16x1024xf32, #tpu.memory_space<vmem>>, vector<16xf32>,
        %parallel_loop3A_888 = arith.addf %parallel_loop3A_868, %parallel_loop3A_887 : vector<16xf32>
        %parallel_loop3A_889 = arith.index_cast %select_n3A_160 : i32 to index
        %parallel_loop3A_890 = arith.index_cast %parallel_loop3A_770 : i32 to index
        %parallel_loop3A_891 = arith.constant 352 : index
        %parallel_loop3A_892 = tpu.vector_load %arg4[%parallel_loop3A_889, %parallel_loop3A_890, %parallel_loop3A_891] {strides = array<i32>} : memref<6x16x1024xf32, #tpu.memory_space<vmem>>, vector<16xf32>,
        %parallel_loop3A_893 = arith.addf %parallel_loop3A_873, %parallel_loop3A_892 : vector<16xf32>
        %parallel_loop3A_894 = arith.index_cast %select_n3A_160 : i32 to index
        %parallel_loop3A_895 = arith.index_cast %parallel_loop3A_770 : i32 to index
        %parallel_loop3A_896 = arith.constant 368 : index
        %parallel_loop3A_897 = tpu.vector_load %arg4[%parallel_loop3A_894, %parallel_loop3A_895, %parallel_loop3A_896] {strides = array<i32>} : memref<6x16x1024xf32, #tpu.memory_space<vmem>>, vector<16xf32>,
        %parallel_loop3A_898 = arith.addf %parallel_loop3A_878, %parallel_loop3A_897 : vector<16xf32>
        %parallel_loop3A_899 = arith.index_cast %select_n3A_160 : i32 to index
        %parallel_loop3A_900 = arith.index_cast %parallel_loop3A_770 : i32 to index
        %parallel_loop3A_901 = arith.constant 384 : index
        %parallel_loop3A_902 = tpu.vector_load %arg4[%parallel_loop3A_899, %parallel_loop3A_900, %parallel_loop3A_901] {strides = array<i32>} : memref<6x16x1024xf32, #tpu.memory_space<vmem>>, vector<16xf32>,
        %parallel_loop3A_903 = arith.addf %parallel_loop3A_883, %parallel_loop3A_902 : vector<16xf32>
        %parallel_loop3A_904 = arith.index_cast %select_n3A_160 : i32 to index
        %parallel_loop3A_905 = arith.index_cast %parallel_loop3A_770 : i32 to index
        %parallel_loop3A_906 = arith.constant 400 : index
        %parallel_loop3A_907 = tpu.vector_load %arg4[%parallel_loop3A_904, %parallel_loop3A_905, %parallel_loop3A_906] {strides = array<i32>} : memref<6x16x1024xf32, #tpu.memory_space<vmem>>, vector<16xf32>,
        %parallel_loop3A_908 = arith.addf %parallel_loop3A_888, %parallel_loop3A_907 : vector<16xf32>
        %parallel_loop3A_909 = arith.index_cast %select_n3A_160 : i32 to index
        %parallel_loop3A_910 = arith.index_cast %parallel_loop3A_770 : i32 to index
        %parallel_loop3A_911 = arith.constant 416 : index
        %parallel_loop3A_912 = tpu.vector_load %arg4[%parallel_loop3A_909, %parallel_loop3A_910, %parallel_loop3A_911] {strides = array<i32>} : memref<6x16x1024xf32, #tpu.memory_space<vmem>>, vector<16xf32>,
        %parallel_loop3A_913 = arith.addf %parallel_loop3A_893, %parallel_loop3A_912 : vector<16xf32>
        %parallel_loop3A_914 = arith.index_cast %select_n3A_160 : i32 to index
        %parallel_loop3A_915 = arith.index_cast %parallel_loop3A_770 : i32 to index
        %parallel_loop3A_916 = arith.constant 432 : index
        %parallel_loop3A_917 = tpu.vector_load %arg4[%parallel_loop3A_914, %parallel_loop3A_915, %parallel_loop3A_916] {strides = array<i32>} : memref<6x16x1024xf32, #tpu.memory_space<vmem>>, vector<16xf32>,
        %parallel_loop3A_918 = arith.addf %parallel_loop3A_898, %parallel_loop3A_917 : vector<16xf32>
        %parallel_loop3A_919 = arith.index_cast %select_n3A_160 : i32 to index
        %parallel_loop3A_920 = arith.index_cast %parallel_loop3A_770 : i32 to index
        %parallel_loop3A_921 = arith.constant 448 : index
        %parallel_loop3A_922 = tpu.vector_load %arg4[%parallel_loop3A_919, %parallel_loop3A_920, %parallel_loop3A_921] {strides = array<i32>} : memref<6x16x1024xf32, #tpu.memory_space<vmem>>, vector<16xf32>,
        %parallel_loop3A_923 = arith.addf %parallel_loop3A_903, %parallel_loop3A_922 : vector<16xf32>
        %parallel_loop3A_924 = arith.index_cast %select_n3A_160 : i32 to index
        %parallel_loop3A_925 = arith.index_cast %parallel_loop3A_770 : i32 to index
        %parallel_loop3A_926 = arith.constant 464 : index
        %parallel_loop3A_927 = tpu.vector_load %arg4[%parallel_loop3A_924, %parallel_loop3A_925, %parallel_loop3A_926] {strides = array<i32>} : memref<6x16x1024xf32, #tpu.memory_space<vmem>>, vector<16xf32>,
        %parallel_loop3A_928 = arith.addf %parallel_loop3A_908, %parallel_loop3A_927 : vector<16xf32>
        %parallel_loop3A_929 = arith.index_cast %select_n3A_160 : i32 to index
        %parallel_loop3A_930 = arith.index_cast %parallel_loop3A_770 : i32 to index
        %parallel_loop3A_931 = arith.constant 480 : index
        %parallel_loop3A_932 = tpu.vector_load %arg4[%parallel_loop3A_929, %parallel_loop3A_930, %parallel_loop3A_931] {strides = array<i32>} : memref<6x16x1024xf32, #tpu.memory_space<vmem>>, vector<16xf32>,
        %parallel_loop3A_933 = arith.addf %parallel_loop3A_913, %parallel_loop3A_932 : vector<16xf32>
        %parallel_loop3A_934 = arith.index_cast %select_n3A_160 : i32 to index
        %parallel_loop3A_935 = arith.index_cast %parallel_loop3A_770 : i32 to index
        %parallel_loop3A_936 = arith.constant 496 : index
        %parallel_loop3A_937 = tpu.vector_load %arg4[%parallel_loop3A_934, %parallel_loop3A_935, %parallel_loop3A_936] {strides = array<i32>} : memref<6x16x1024xf32, #tpu.memory_space<vmem>>, vector<16xf32>,
        %parallel_loop3A_938 = arith.addf %parallel_loop3A_918, %parallel_loop3A_937 : vector<16xf32>
        %parallel_loop3A_939 = arith.index_cast %select_n3A_160 : i32 to index
        %parallel_loop3A_940 = arith.index_cast %parallel_loop3A_770 : i32 to index
        %parallel_loop3A_941 = arith.constant 512 : index
        %parallel_loop3A_942 = tpu.vector_load %arg4[%parallel_loop3A_939, %parallel_loop3A_940, %parallel_loop3A_941] {strides = array<i32>} : memref<6x16x1024xf32, #tpu.memory_space<vmem>>, vector<16xf32>,
        %parallel_loop3A_943 = arith.addf %parallel_loop3A_923, %parallel_loop3A_942 : vector<16xf32>
        %parallel_loop3A_944 = arith.index_cast %select_n3A_160 : i32 to index
        %parallel_loop3A_945 = arith.index_cast %parallel_loop3A_770 : i32 to index
        %parallel_loop3A_946 = arith.constant 528 : index
        %parallel_loop3A_947 = tpu.vector_load %arg4[%parallel_loop3A_944, %parallel_loop3A_945, %parallel_loop3A_946] {strides = array<i32>} : memref<6x16x1024xf32, #tpu.memory_space<vmem>>, vector<16xf32>,
        %parallel_loop3A_948 = arith.addf %parallel_loop3A_928, %parallel_loop3A_947 : vector<16xf32>
        %parallel_loop3A_949 = arith.index_cast %select_n3A_160 : i32 to index
        %parallel_loop3A_950 = arith.index_cast %parallel_loop3A_770 : i32 to index
        %parallel_loop3A_951 = arith.constant 544 : index
        %parallel_loop3A_952 = tpu.vector_load %arg4[%parallel_loop3A_949, %parallel_loop3A_950, %parallel_loop3A_951] {strides = array<i32>} : memref<6x16x1024xf32, #tpu.memory_space<vmem>>, vector<16xf32>,
        %parallel_loop3A_953 = arith.addf %parallel_loop3A_933, %parallel_loop3A_952 : vector<16xf32>
        %parallel_loop3A_954 = arith.index_cast %select_n3A_160 : i32 to index
        %parallel_loop3A_955 = arith.index_cast %parallel_loop3A_770 : i32 to index
        %parallel_loop3A_956 = arith.constant 560 : index
        %parallel_loop3A_957 = tpu.vector_load %arg4[%parallel_loop3A_954, %parallel_loop3A_955, %parallel_loop3A_956] {strides = array<i32>} : memref<6x16x1024xf32, #tpu.memory_space<vmem>>, vector<16xf32>,
        %parallel_loop3A_958 = arith.addf %parallel_loop3A_938, %parallel_loop3A_957 : vector<16xf32>
        %parallel_loop3A_959 = arith.index_cast %select_n3A_160 : i32 to index
        %parallel_loop3A_960 = arith.index_cast %parallel_loop3A_770 : i32 to index
        %parallel_loop3A_961 = arith.constant 576 : index
        %parallel_loop3A_962 = tpu.vector_load %arg4[%parallel_loop3A_959, %parallel_loop3A_960, %parallel_loop3A_961] {strides = array<i32>} : memref<6x16x1024xf32, #tpu.memory_space<vmem>>, vector<16xf32>,
        %parallel_loop3A_963 = arith.addf %parallel_loop3A_943, %parallel_loop3A_962 : vector<16xf32>
        %parallel_loop3A_964 = arith.index_cast %select_n3A_160 : i32 to index
        %parallel_loop3A_965 = arith.index_cast %parallel_loop3A_770 : i32 to index
        %parallel_loop3A_966 = arith.constant 592 : index
        %parallel_loop3A_967 = tpu.vector_load %arg4[%parallel_loop3A_964, %parallel_loop3A_965, %parallel_loop3A_966] {strides = array<i32>} : memref<6x16x1024xf32, #tpu.memory_space<vmem>>, vector<16xf32>,
        %parallel_loop3A_968 = arith.addf %parallel_loop3A_948, %parallel_loop3A_967 : vector<16xf32>
        %parallel_loop3A_969 = arith.index_cast %select_n3A_160 : i32 to index
        %parallel_loop3A_970 = arith.index_cast %parallel_loop3A_770 : i32 to index
        %parallel_loop3A_971 = arith.constant 608 : index
        %parallel_loop3A_972 = tpu.vector_load %arg4[%parallel_loop3A_969, %parallel_loop3A_970, %parallel_loop3A_971] {strides = array<i32>} : memref<6x16x1024xf32, #tpu.memory_space<vmem>>, vector<16xf32>,
        %parallel_loop3A_973 = arith.addf %parallel_loop3A_953, %parallel_loop3A_972 : vector<16xf32>
        %parallel_loop3A_974 = arith.index_cast %select_n3A_160 : i32 to index
        %parallel_loop3A_975 = arith.index_cast %parallel_loop3A_770 : i32 to index
        %parallel_loop3A_976 = arith.constant 624 : index
        %parallel_loop3A_977 = tpu.vector_load %arg4[%parallel_loop3A_974, %parallel_loop3A_975, %parallel_loop3A_976] {strides = array<i32>} : memref<6x16x1024xf32, #tpu.memory_space<vmem>>, vector<16xf32>,
        %parallel_loop3A_978 = arith.addf %parallel_loop3A_958, %parallel_loop3A_977 : vector<16xf32>
        %parallel_loop3A_979 = arith.index_cast %select_n3A_160 : i32 to index
        %parallel_loop3A_980 = arith.index_cast %parallel_loop3A_770 : i32 to index
        %parallel_loop3A_981 = arith.constant 640 : index
        %parallel_loop3A_982 = tpu.vector_load %arg4[%parallel_loop3A_979, %parallel_loop3A_980, %parallel_loop3A_981] {strides = array<i32>} : memref<6x16x1024xf32, #tpu.memory_space<vmem>>, vector<16xf32>,
        %parallel_loop3A_983 = arith.addf %parallel_loop3A_963, %parallel_loop3A_982 : vector<16xf32>
        %parallel_loop3A_984 = arith.index_cast %select_n3A_160 : i32 to index
        %parallel_loop3A_985 = arith.index_cast %parallel_loop3A_770 : i32 to index
        %parallel_loop3A_986 = arith.constant 656 : index
        %parallel_loop3A_987 = tpu.vector_load %arg4[%parallel_loop3A_984, %parallel_loop3A_985, %parallel_loop3A_986] {strides = array<i32>} : memref<6x16x1024xf32, #tpu.memory_space<vmem>>, vector<16xf32>,
        %parallel_loop3A_988 = arith.addf %parallel_loop3A_968, %parallel_loop3A_987 : vector<16xf32>
        %parallel_loop3A_989 = arith.index_cast %select_n3A_160 : i32 to index
        %parallel_loop3A_990 = arith.index_cast %parallel_loop3A_770 : i32 to index
        %parallel_loop3A_991 = arith.constant 672 : index
        %parallel_loop3A_992 = tpu.vector_load %arg4[%parallel_loop3A_989, %parallel_loop3A_990, %parallel_loop3A_991] {strides = array<i32>} : memref<6x16x1024xf32, #tpu.memory_space<vmem>>, vector<16xf32>,
        %parallel_loop3A_993 = arith.addf %parallel_loop3A_973, %parallel_loop3A_992 : vector<16xf32>
        %parallel_loop3A_994 = arith.index_cast %select_n3A_160 : i32 to index
        %parallel_loop3A_995 = arith.index_cast %parallel_loop3A_770 : i32 to index
        %parallel_loop3A_996 = arith.constant 688 : index
        %parallel_loop3A_997 = tpu.vector_load %arg4[%parallel_loop3A_994, %parallel_loop3A_995, %parallel_loop3A_996] {strides = array<i32>} : memref<6x16x1024xf32, #tpu.memory_space<vmem>>, vector<16xf32>,
        %parallel_loop3A_998 = arith.addf %parallel_loop3A_978, %parallel_loop3A_997 : vector<16xf32>
        %parallel_loop3A_999 = arith.index_cast %select_n3A_160 : i32 to index
        %parallel_loop3A_1000 = arith.index_cast %parallel_loop3A_770 : i32 to index
        %parallel_loop3A_1001 = arith.constant 704 : index
        %parallel_loop3A_1002 = tpu.vector_load %arg4[%parallel_loop3A_999, %parallel_loop3A_1000, %parallel_loop3A_1001] {strides = array<i32>} : memref<6x16x1024xf32, #tpu.memory_space<vmem>>, vector<16xf32>,
        %parallel_loop3A_1003 = arith.addf %parallel_loop3A_983, %parallel_loop3A_1002 : vector<16xf32>
        %parallel_loop3A_1004 = arith.index_cast %select_n3A_160 : i32 to index
        %parallel_loop3A_1005 = arith.index_cast %parallel_loop3A_770 : i32 to index
        %parallel_loop3A_1006 = arith.constant 720 : index
        %parallel_loop3A_1007 = tpu.vector_load %arg4[%parallel_loop3A_1004, %parallel_loop3A_1005, %parallel_loop3A_1006] {strides = array<i32>} : memref<6x16x1024xf32, #tpu.memory_space<vmem>>, vector<16xf32>,
        %parallel_loop3A_1008 = arith.addf %parallel_loop3A_988, %parallel_loop3A_1007 : vector<16xf32>
        %parallel_loop3A_1009 = arith.index_cast %select_n3A_160 : i32 to index
        %parallel_loop3A_1010 = arith.index_cast %parallel_loop3A_770 : i32 to index
        %parallel_loop3A_1011 = arith.constant 736 : index
        %parallel_loop3A_1012 = tpu.vector_load %arg4[%parallel_loop3A_1009, %parallel_loop3A_1010, %parallel_loop3A_1011] {strides = array<i32>} : memref<6x16x1024xf32, #tpu.memory_space<vmem>>, vector<16xf32>,
        %parallel_loop3A_1013 = arith.addf %parallel_loop3A_993, %parallel_loop3A_1012 : vector<16xf32>
        %parallel_loop3A_1014 = arith.index_cast %select_n3A_160 : i32 to index
        %parallel_loop3A_1015 = arith.index_cast %parallel_loop3A_770 : i32 to index
        %parallel_loop3A_1016 = arith.constant 752 : index
        %parallel_loop3A_1017 = tpu.vector_load %arg4[%parallel_loop3A_1014, %parallel_loop3A_1015, %parallel_loop3A_1016] {strides = array<i32>} : memref<6x16x1024xf32, #tpu.memory_space<vmem>>, vector<16xf32>,
        %parallel_loop3A_1018 = arith.addf %parallel_loop3A_998, %parallel_loop3A_1017 : vector<16xf32>
        %parallel_loop3A_1019 = arith.index_cast %select_n3A_160 : i32 to index
        %parallel_loop3A_1020 = arith.index_cast %parallel_loop3A_770 : i32 to index
        %parallel_loop3A_1021 = arith.constant 768 : index
        %parallel_loop3A_1022 = tpu.vector_load %arg4[%parallel_loop3A_1019, %parallel_loop3A_1020, %parallel_loop3A_1021] {strides = array<i32>} : memref<6x16x1024xf32, #tpu.memory_space<vmem>>, vector<16xf32>,
        %parallel_loop3A_1023 = arith.addf %parallel_loop3A_1003, %parallel_loop3A_1022 : vector<16xf32>
        %parallel_loop3A_1024 = arith.index_cast %select_n3A_160 : i32 to index
        %parallel_loop3A_1025 = arith.index_cast %parallel_loop3A_770 : i32 to index
        %parallel_loop3A_1026 = arith.constant 784 : index
        %parallel_loop3A_1027 = tpu.vector_load %arg4[%parallel_loop3A_1024, %parallel_loop3A_1025, %parallel_loop3A_1026] {strides = array<i32>} : memref<6x16x1024xf32, #tpu.memory_space<vmem>>, vector<16xf32>,
        %parallel_loop3A_1028 = arith.addf %parallel_loop3A_1008, %parallel_loop3A_1027 : vector<16xf32>
        %parallel_loop3A_1029 = arith.index_cast %select_n3A_160 : i32 to index
        %parallel_loop3A_1030 = arith.index_cast %parallel_loop3A_770 : i32 to index
        %parallel_loop3A_1031 = arith.constant 800 : index
        %parallel_loop3A_1032 = tpu.vector_load %arg4[%parallel_loop3A_1029, %parallel_loop3A_1030, %parallel_loop3A_1031] {strides = array<i32>} : memref<6x16x1024xf32, #tpu.memory_space<vmem>>, vector<16xf32>,
        %parallel_loop3A_1033 = arith.addf %parallel_loop3A_1013, %parallel_loop3A_1032 : vector<16xf32>
        %parallel_loop3A_1034 = arith.index_cast %select_n3A_160 : i32 to index
        %parallel_loop3A_1035 = arith.index_cast %parallel_loop3A_770 : i32 to index
        %parallel_loop3A_1036 = arith.constant 816 : index
        %parallel_loop3A_1037 = tpu.vector_load %arg4[%parallel_loop3A_1034, %parallel_loop3A_1035, %parallel_loop3A_1036] {strides = array<i32>} : memref<6x16x1024xf32, #tpu.memory_space<vmem>>, vector<16xf32>,
        %parallel_loop3A_1038 = arith.addf %parallel_loop3A_1018, %parallel_loop3A_1037 : vector<16xf32>
        %parallel_loop3A_1039 = arith.index_cast %select_n3A_160 : i32 to index
        %parallel_loop3A_1040 = arith.index_cast %parallel_loop3A_770 : i32 to index
        %parallel_loop3A_1041 = arith.constant 832 : index
        %parallel_loop3A_1042 = tpu.vector_load %arg4[%parallel_loop3A_1039, %parallel_loop3A_1040, %parallel_loop3A_1041] {strides = array<i32>} : memref<6x16x1024xf32, #tpu.memory_space<vmem>>, vector<16xf32>,
        %parallel_loop3A_1043 = arith.addf %parallel_loop3A_1023, %parallel_loop3A_1042 : vector<16xf32>
        %parallel_loop3A_1044 = arith.index_cast %select_n3A_160 : i32 to index
        %parallel_loop3A_1045 = arith.index_cast %parallel_loop3A_770 : i32 to index
        %parallel_loop3A_1046 = arith.constant 848 : index
        %parallel_loop3A_1047 = tpu.vector_load %arg4[%parallel_loop3A_1044, %parallel_loop3A_1045, %parallel_loop3A_1046] {strides = array<i32>} : memref<6x16x1024xf32, #tpu.memory_space<vmem>>, vector<16xf32>,
        %parallel_loop3A_1048 = arith.addf %parallel_loop3A_1028, %parallel_loop3A_1047 : vector<16xf32>
        %parallel_loop3A_1049 = arith.index_cast %select_n3A_160 : i32 to index
        %parallel_loop3A_1050 = arith.index_cast %parallel_loop3A_770 : i32 to index
        %parallel_loop3A_1051 = arith.constant 864 : index
        %parallel_loop3A_1052 = tpu.vector_load %arg4[%parallel_loop3A_1049, %parallel_loop3A_1050, %parallel_loop3A_1051] {strides = array<i32>} : memref<6x16x1024xf32, #tpu.memory_space<vmem>>, vector<16xf32>,
        %parallel_loop3A_1053 = arith.addf %parallel_loop3A_1033, %parallel_loop3A_1052 : vector<16xf32>
        %parallel_loop3A_1054 = arith.index_cast %select_n3A_160 : i32 to index
        %parallel_loop3A_1055 = arith.index_cast %parallel_loop3A_770 : i32 to index
        %parallel_loop3A_1056 = arith.constant 880 : index
        %parallel_loop3A_1057 = tpu.vector_load %arg4[%parallel_loop3A_1054, %parallel_loop3A_1055, %parallel_loop3A_1056] {strides = array<i32>} : memref<6x16x1024xf32, #tpu.memory_space<vmem>>, vector<16xf32>,
        %parallel_loop3A_1058 = arith.addf %parallel_loop3A_1038, %parallel_loop3A_1057 : vector<16xf32>
        %parallel_loop3A_1059 = arith.index_cast %select_n3A_160 : i32 to index
        %parallel_loop3A_1060 = arith.index_cast %parallel_loop3A_770 : i32 to index
        %parallel_loop3A_1061 = arith.constant 896 : index
        %parallel_loop3A_1062 = tpu.vector_load %arg4[%parallel_loop3A_1059, %parallel_loop3A_1060, %parallel_loop3A_1061] {strides = array<i32>} : memref<6x16x1024xf32, #tpu.memory_space<vmem>>, vector<16xf32>,
        %parallel_loop3A_1063 = arith.addf %parallel_loop3A_1043, %parallel_loop3A_1062 : vector<16xf32>
        %parallel_loop3A_1064 = arith.index_cast %select_n3A_160 : i32 to index
        %parallel_loop3A_1065 = arith.index_cast %parallel_loop3A_770 : i32 to index
        %parallel_loop3A_1066 = arith.constant 912 : index
        %parallel_loop3A_1067 = tpu.vector_load %arg4[%parallel_loop3A_1064, %parallel_loop3A_1065, %parallel_loop3A_1066] {strides = array<i32>} : memref<6x16x1024xf32, #tpu.memory_space<vmem>>, vector<16xf32>,
        %parallel_loop3A_1068 = arith.addf %parallel_loop3A_1048, %parallel_loop3A_1067 : vector<16xf32>
        %parallel_loop3A_1069 = arith.index_cast %select_n3A_160 : i32 to index
        %parallel_loop3A_1070 = arith.index_cast %parallel_loop3A_770 : i32 to index
        %parallel_loop3A_1071 = arith.constant 928 : index
        %parallel_loop3A_1072 = tpu.vector_load %arg4[%parallel_loop3A_1069, %parallel_loop3A_1070, %parallel_loop3A_1071] {strides = array<i32>} : memref<6x16x1024xf32, #tpu.memory_space<vmem>>, vector<16xf32>,
        %parallel_loop3A_1073 = arith.addf %parallel_loop3A_1053, %parallel_loop3A_1072 : vector<16xf32>
        %parallel_loop3A_1074 = arith.index_cast %select_n3A_160 : i32 to index
        %parallel_loop3A_1075 = arith.index_cast %parallel_loop3A_770 : i32 to index
        %parallel_loop3A_1076 = arith.constant 944 : index
        %parallel_loop3A_1077 = tpu.vector_load %arg4[%parallel_loop3A_1074, %parallel_loop3A_1075, %parallel_loop3A_1076] {strides = array<i32>} : memref<6x16x1024xf32, #tpu.memory_space<vmem>>, vector<16xf32>,
        %parallel_loop3A_1078 = arith.addf %parallel_loop3A_1058, %parallel_loop3A_1077 : vector<16xf32>
        %parallel_loop3A_1079 = arith.index_cast %select_n3A_160 : i32 to index
        %parallel_loop3A_1080 = arith.index_cast %parallel_loop3A_770 : i32 to index
        %parallel_loop3A_1081 = arith.constant 960 : index
        %parallel_loop3A_1082 = tpu.vector_load %arg4[%parallel_loop3A_1079, %parallel_loop3A_1080, %parallel_loop3A_1081] {strides = array<i32>} : memref<6x16x1024xf32, #tpu.memory_space<vmem>>, vector<16xf32>,
        %parallel_loop3A_1083 = arith.addf %parallel_loop3A_1063, %parallel_loop3A_1082 : vector<16xf32>
        %parallel_loop3A_1084 = arith.index_cast %select_n3A_160 : i32 to index
        %parallel_loop3A_1085 = arith.index_cast %parallel_loop3A_770 : i32 to index
        %parallel_loop3A_1086 = arith.constant 976 : index
        %parallel_loop3A_1087 = tpu.vector_load %arg4[%parallel_loop3A_1084, %parallel_loop3A_1085, %parallel_loop3A_1086] {strides = array<i32>} : memref<6x16x1024xf32, #tpu.memory_space<vmem>>, vector<16xf32>,
        %parallel_loop3A_1088 = arith.addf %parallel_loop3A_1068, %parallel_loop3A_1087 : vector<16xf32>
        %parallel_loop3A_1089 = arith.index_cast %select_n3A_160 : i32 to index
        %parallel_loop3A_1090 = arith.index_cast %parallel_loop3A_770 : i32 to index
        %parallel_loop3A_1091 = arith.constant 992 : index
        %parallel_loop3A_1092 = tpu.vector_load %arg4[%parallel_loop3A_1089, %parallel_loop3A_1090, %parallel_loop3A_1091] {strides = array<i32>} : memref<6x16x1024xf32, #tpu.memory_space<vmem>>, vector<16xf32>,
        %parallel_loop3A_1093 = arith.addf %parallel_loop3A_1073, %parallel_loop3A_1092 : vector<16xf32>
        %parallel_loop3A_1094 = arith.index_cast %select_n3A_160 : i32 to index
        %parallel_loop3A_1095 = arith.index_cast %parallel_loop3A_770 : i32 to index
        %parallel_loop3A_1096 = arith.constant 1008 : index
        %parallel_loop3A_1097 = tpu.vector_load %arg4[%parallel_loop3A_1094, %parallel_loop3A_1095, %parallel_loop3A_1096] {strides = array<i32>} : memref<6x16x1024xf32, #tpu.memory_space<vmem>>, vector<16xf32>,
        %parallel_loop3A_1098 = arith.addf %parallel_loop3A_1078, %parallel_loop3A_1097 : vector<16xf32>
        %parallel_loop3A_1099 = arith.addf %parallel_loop3A_1083, %parallel_loop3A_1088 : vector<16xf32>
        %parallel_loop3A_1100 = arith.addf %parallel_loop3A_1093, %parallel_loop3A_1098 : vector<16xf32>
        %parallel_loop3A_1101 = arith.addf %parallel_loop3A_1099, %parallel_loop3A_1100 : vector<16xf32>
        %parallel_loop3A_1102 = arith.constant 16 : i32
        %parallel_loop3A_1103 = arith.muli %parallel_loop3A_770, %parallel_loop3A_1102 : i32
        %parallel_loop3A_1104 = arith.index_cast %parallel_loop3A_1103 : i32 to index
        %parallel_loop3A_1105 = tpu.vector_load %arg6[%parallel_loop3A_1104] {strides = array<i32>} : memref<256xf32, #tpu.memory_space<vmem>>, vector<16xf32>,
        tpu.vector_store %arg6[%parallel_loop3A_1104], %parallel_loop3A_1101 {strides = array<i32>} : memref<256xf32, #tpu.memory_space<vmem>>, vector<16xf32>,
      } {sc.loop_unroll_factor = 2 : i64, sc.parallel_access}
      %get3A = arith.constant 0 : index
      %get3A_197 = tpu.vector_load %arg6[%get3A] {strides = array<i32>} : memref<256xf32, #tpu.memory_space<vmem>>, vector<16xf32>,
      %get3A_198 = arith.constant 16 : index
      %get3A_199 = tpu.vector_load %arg6[%get3A_198] {strides = array<i32>} : memref<256xf32, #tpu.memory_space<vmem>>, vector<16xf32>,
      %get3A_200 = arith.constant 32 : index
      %get3A_201 = tpu.vector_load %arg6[%get3A_200] {strides = array<i32>} : memref<256xf32, #tpu.memory_space<vmem>>, vector<16xf32>,
      %get3A_202 = arith.constant 48 : index
      %get3A_203 = tpu.vector_load %arg6[%get3A_202] {strides = array<i32>} : memref<256xf32, #tpu.memory_space<vmem>>, vector<16xf32>,
      %get3A_204 = arith.constant 64 : index
      %get3A_205 = tpu.vector_load %arg6[%get3A_204] {strides = array<i32>} : memref<256xf32, #tpu.memory_space<vmem>>, vector<16xf32>,
      %get3A_206 = arith.constant 80 : index
      %get3A_207 = tpu.vector_load %arg6[%get3A_206] {strides = array<i32>} : memref<256xf32, #tpu.memory_space<vmem>>, vector<16xf32>,
      %get3A_208 = arith.constant 96 : index
      %get3A_209 = tpu.vector_load %arg6[%get3A_208] {strides = array<i32>} : memref<256xf32, #tpu.memory_space<vmem>>, vector<16xf32>,
      %get3A_210 = arith.constant 112 : index
      %get3A_211 = tpu.vector_load %arg6[%get3A_210] {strides = array<i32>} : memref<256xf32, #tpu.memory_space<vmem>>, vector<16xf32>,
      %get3A_212 = arith.constant 128 : index
      %get3A_213 = tpu.vector_load %arg6[%get3A_212] {strides = array<i32>} : memref<256xf32, #tpu.memory_space<vmem>>, vector<16xf32>,
      %get3A_214 = arith.constant 144 : index
      %get3A_215 = tpu.vector_load %arg6[%get3A_214] {strides = array<i32>} : memref<256xf32, #tpu.memory_space<vmem>>, vector<16xf32>,
      %get3A_216 = arith.constant 160 : index
      %get3A_217 = tpu.vector_load %arg6[%get3A_216] {strides = array<i32>} : memref<256xf32, #tpu.memory_space<vmem>>, vector<16xf32>,
      %get3A_218 = arith.constant 176 : index
      %get3A_219 = tpu.vector_load %arg6[%get3A_218] {strides = array<i32>} : memref<256xf32, #tpu.memory_space<vmem>>, vector<16xf32>,
      %get3A_220 = arith.constant 192 : index
      %get3A_221 = tpu.vector_load %arg6[%get3A_220] {strides = array<i32>} : memref<256xf32, #tpu.memory_space<vmem>>, vector<16xf32>,
      %get3A_222 = arith.constant 208 : index
      %get3A_223 = tpu.vector_load %arg6[%get3A_222] {strides = array<i32>} : memref<256xf32, #tpu.memory_space<vmem>>, vector<16xf32>,
      %get3A_224 = arith.constant 224 : index
      %get3A_225 = tpu.vector_load %arg6[%get3A_224] {strides = array<i32>} : memref<256xf32, #tpu.memory_space<vmem>>, vector<16xf32>,
      %get3A_226 = arith.constant 240 : index
      %get3A_227 = tpu.vector_load %arg6[%get3A_226] {strides = array<i32>} : memref<256xf32, #tpu.memory_space<vmem>>, vector<16xf32>,
      %and3A_228 = arith.constant 8 : i32
      %and3A_229 = vector.broadcast %and3A_228 : i32 to vector<16xi32>
      %and3A_230 = arith.andi %iota3A, %and3A_229 : vector<16xi32>
      %eq3A_231 = arith.constant 0 : i32
      %eq3A_232 = vector.broadcast %eq3A_231 : i32 to vector<16xi32>
      %eq3A_233 = arith.cmpi eq, %and3A_230, %eq3A_232 : vector<16xi32>
      %xor3A = arith.constant 8 : i32
      %xor3A_234 = vector.broadcast %xor3A : i32 to vector<16xi32>
      %xor3A_235 = arith.xori %iota3A, %xor3A_234 : vector<16xi32>
      %lt3A_236 = arith.constant 0 : i32
      %lt3A_237 = vector.broadcast %lt3A_236 : i32 to vector<16xi32>
      %lt3A_238 = arith.cmpi slt, %xor3A_235, %lt3A_237 : vector<16xi32>
      %add3A_239 = arith.constant 16 : i32
      %add3A_240 = vector.broadcast %add3A_239 : i32 to vector<16xi32>
      %add3A_241 = arith.addi %xor3A_235, %add3A_240 : vector<16xi32>
      %select_n3A_242 = arith.select %lt3A_238, %add3A_241, %xor3A_235 : vector<16xi1>, vector<16xi32>
      %broadcast_in_dim3A = vector.shape_cast %select_n3A_242 : vector<16xi32> to vector<16x1xi32>
      %gather3A = vector.shape_cast %broadcast_in_dim3A : vector<16x1xi32> to vector<16xi32>
      %gather3A_243 = tpu.dynamic_gather %get3A_199[%gather3A] in [0] : vector<16xf32>, vector<16xi32> -> vector<16xf32>
      %select_n3A_244 = arith.select %eq3A_233, %get3A_197, %gather3A_243 : vector<16xi1>, vector<16xf32>
      %xor3A_245 = arith.constant 8 : i32
      %xor3A_246 = vector.broadcast %xor3A_245 : i32 to vector<16xi32>
      %xor3A_247 = arith.xori %iota3A, %xor3A_246 : vector<16xi32>
      %lt3A_248 = arith.constant 0 : i32
      %lt3A_249 = vector.broadcast %lt3A_248 : i32 to vector<16xi32>
      %lt3A_250 = arith.cmpi slt, %xor3A_247, %lt3A_249 : vector<16xi32>
      %add3A_251 = arith.constant 16 : i32
      %add3A_252 = vector.broadcast %add3A_251 : i32 to vector<16xi32>
      %add3A_253 = arith.addi %xor3A_247, %add3A_252 : vector<16xi32>
      %select_n3A_254 = arith.select %lt3A_250, %add3A_253, %xor3A_247 : vector<16xi1>, vector<16xi32>
      %broadcast_in_dim3A_255 = vector.shape_cast %select_n3A_254 : vector<16xi32> to vector<16x1xi32>
      %gather3A_256 = vector.shape_cast %broadcast_in_dim3A_255 : vector<16x1xi32> to vector<16xi32>
      %gather3A_257 = tpu.dynamic_gather %get3A_197[%gather3A_256] in [0] : vector<16xf32>, vector<16xi32> -> vector<16xf32>
      %select_n3A_258 = arith.select %eq3A_233, %gather3A_257, %get3A_199 : vector<16xi1>, vector<16xf32>
      %add3A_259 = arith.addf %select_n3A_244, %select_n3A_258 : vector<16xf32>
      %and3A_260 = arith.constant 8 : i32
      %and3A_261 = vector.broadcast %and3A_260 : i32 to vector<16xi32>
      %and3A_262 = arith.andi %iota3A, %and3A_261 : vector<16xi32>
      %eq3A_263 = arith.constant 0 : i32
      %eq3A_264 = vector.broadcast %eq3A_263 : i32 to vector<16xi32>
      %eq3A_265 = arith.cmpi eq, %and3A_262, %eq3A_264 : vector<16xi32>
      %xor3A_266 = arith.constant 8 : i32
      %xor3A_267 = vector.broadcast %xor3A_266 : i32 to vector<16xi32>
      %xor3A_268 = arith.xori %iota3A, %xor3A_267 : vector<16xi32>
      %lt3A_269 = arith.constant 0 : i32
      %lt3A_270 = vector.broadcast %lt3A_269 : i32 to vector<16xi32>
      %lt3A_271 = arith.cmpi slt, %xor3A_268, %lt3A_270 : vector<16xi32>
      %add3A_272 = arith.constant 16 : i32
      %add3A_273 = vector.broadcast %add3A_272 : i32 to vector<16xi32>
      %add3A_274 = arith.addi %xor3A_268, %add3A_273 : vector<16xi32>
      %select_n3A_275 = arith.select %lt3A_271, %add3A_274, %xor3A_268 : vector<16xi1>, vector<16xi32>
      %broadcast_in_dim3A_276 = vector.shape_cast %select_n3A_275 : vector<16xi32> to vector<16x1xi32>
      %gather3A_277 = vector.shape_cast %broadcast_in_dim3A_276 : vector<16x1xi32> to vector<16xi32>
      %gather3A_278 = tpu.dynamic_gather %get3A_203[%gather3A_277] in [0] : vector<16xf32>, vector<16xi32> -> vector<16xf32>
      %select_n3A_279 = arith.select %eq3A_265, %get3A_201, %gather3A_278 : vector<16xi1>, vector<16xf32>
      %xor3A_280 = arith.constant 8 : i32
      %xor3A_281 = vector.broadcast %xor3A_280 : i32 to vector<16xi32>
      %xor3A_282 = arith.xori %iota3A, %xor3A_281 : vector<16xi32>
      %lt3A_283 = arith.constant 0 : i32
      %lt3A_284 = vector.broadcast %lt3A_283 : i32 to vector<16xi32>
      %lt3A_285 = arith.cmpi slt, %xor3A_282, %lt3A_284 : vector<16xi32>
      %add3A_286 = arith.constant 16 : i32
      %add3A_287 = vector.broadcast %add3A_286 : i32 to vector<16xi32>
      %add3A_288 = arith.addi %xor3A_282, %add3A_287 : vector<16xi32>
      %select_n3A_289 = arith.select %lt3A_285, %add3A_288, %xor3A_282 : vector<16xi1>, vector<16xi32>
      %broadcast_in_dim3A_290 = vector.shape_cast %select_n3A_289 : vector<16xi32> to vector<16x1xi32>
      %gather3A_291 = vector.shape_cast %broadcast_in_dim3A_290 : vector<16x1xi32> to vector<16xi32>
      %gather3A_292 = tpu.dynamic_gather %get3A_201[%gather3A_291] in [0] : vector<16xf32>, vector<16xi32> -> vector<16xf32>
      %select_n3A_293 = arith.select %eq3A_265, %gather3A_292, %get3A_203 : vector<16xi1>, vector<16xf32>
      %add3A_294 = arith.addf %select_n3A_279, %select_n3A_293 : vector<16xf32>
      %and3A_295 = arith.constant 8 : i32
      %and3A_296 = vector.broadcast %and3A_295 : i32 to vector<16xi32>
      %and3A_297 = arith.andi %iota3A, %and3A_296 : vector<16xi32>
      %eq3A_298 = arith.constant 0 : i32
      %eq3A_299 = vector.broadcast %eq3A_298 : i32 to vector<16xi32>
      %eq3A_300 = arith.cmpi eq, %and3A_297, %eq3A_299 : vector<16xi32>
      %xor3A_301 = arith.constant 8 : i32
      %xor3A_302 = vector.broadcast %xor3A_301 : i32 to vector<16xi32>
      %xor3A_303 = arith.xori %iota3A, %xor3A_302 : vector<16xi32>
      %lt3A_304 = arith.constant 0 : i32
      %lt3A_305 = vector.broadcast %lt3A_304 : i32 to vector<16xi32>
      %lt3A_306 = arith.cmpi slt, %xor3A_303, %lt3A_305 : vector<16xi32>
      %add3A_307 = arith.constant 16 : i32
      %add3A_308 = vector.broadcast %add3A_307 : i32 to vector<16xi32>
      %add3A_309 = arith.addi %xor3A_303, %add3A_308 : vector<16xi32>
      %select_n3A_310 = arith.select %lt3A_306, %add3A_309, %xor3A_303 : vector<16xi1>, vector<16xi32>
      %broadcast_in_dim3A_311 = vector.shape_cast %select_n3A_310 : vector<16xi32> to vector<16x1xi32>
      %gather3A_312 = vector.shape_cast %broadcast_in_dim3A_311 : vector<16x1xi32> to vector<16xi32>
      %gather3A_313 = tpu.dynamic_gather %get3A_207[%gather3A_312] in [0] : vector<16xf32>, vector<16xi32> -> vector<16xf32>
      %select_n3A_314 = arith.select %eq3A_300, %get3A_205, %gather3A_313 : vector<16xi1>, vector<16xf32>
      %xor3A_315 = arith.constant 8 : i32
      %xor3A_316 = vector.broadcast %xor3A_315 : i32 to vector<16xi32>
      %xor3A_317 = arith.xori %iota3A, %xor3A_316 : vector<16xi32>
      %lt3A_318 = arith.constant 0 : i32
      %lt3A_319 = vector.broadcast %lt3A_318 : i32 to vector<16xi32>
      %lt3A_320 = arith.cmpi slt, %xor3A_317, %lt3A_319 : vector<16xi32>
      %add3A_321 = arith.constant 16 : i32
      %add3A_322 = vector.broadcast %add3A_321 : i32 to vector<16xi32>
      %add3A_323 = arith.addi %xor3A_317, %add3A_322 : vector<16xi32>
      %select_n3A_324 = arith.select %lt3A_320, %add3A_323, %xor3A_317 : vector<16xi1>, vector<16xi32>
      %broadcast_in_dim3A_325 = vector.shape_cast %select_n3A_324 : vector<16xi32> to vector<16x1xi32>
      %gather3A_326 = vector.shape_cast %broadcast_in_dim3A_325 : vector<16x1xi32> to vector<16xi32>
      %gather3A_327 = tpu.dynamic_gather %get3A_205[%gather3A_326] in [0] : vector<16xf32>, vector<16xi32> -> vector<16xf32>
      %select_n3A_328 = arith.select %eq3A_300, %gather3A_327, %get3A_207 : vector<16xi1>, vector<16xf32>
      %add3A_329 = arith.addf %select_n3A_314, %select_n3A_328 : vector<16xf32>
      %and3A_330 = arith.constant 8 : i32
      %and3A_331 = vector.broadcast %and3A_330 : i32 to vector<16xi32>
      %and3A_332 = arith.andi %iota3A, %and3A_331 : vector<16xi32>
      %eq3A_333 = arith.constant 0 : i32
      %eq3A_334 = vector.broadcast %eq3A_333 : i32 to vector<16xi32>
      %eq3A_335 = arith.cmpi eq, %and3A_332, %eq3A_334 : vector<16xi32>
      %xor3A_336 = arith.constant 8 : i32
      %xor3A_337 = vector.broadcast %xor3A_336 : i32 to vector<16xi32>
      %xor3A_338 = arith.xori %iota3A, %xor3A_337 : vector<16xi32>
      %lt3A_339 = arith.constant 0 : i32
      %lt3A_340 = vector.broadcast %lt3A_339 : i32 to vector<16xi32>
      %lt3A_341 = arith.cmpi slt, %xor3A_338, %lt3A_340 : vector<16xi32>
      %add3A_342 = arith.constant 16 : i32
      %add3A_343 = vector.broadcast %add3A_342 : i32 to vector<16xi32>
      %add3A_344 = arith.addi %xor3A_338, %add3A_343 : vector<16xi32>
      %select_n3A_345 = arith.select %lt3A_341, %add3A_344, %xor3A_338 : vector<16xi1>, vector<16xi32>
      %broadcast_in_dim3A_346 = vector.shape_cast %select_n3A_345 : vector<16xi32> to vector<16x1xi32>
      %gather3A_347 = vector.shape_cast %broadcast_in_dim3A_346 : vector<16x1xi32> to vector<16xi32>
      %gather3A_348 = tpu.dynamic_gather %get3A_211[%gather3A_347] in [0] : vector<16xf32>, vector<16xi32> -> vector<16xf32>
      %select_n3A_349 = arith.select %eq3A_335, %get3A_209, %gather3A_348 : vector<16xi1>, vector<16xf32>
      %xor3A_350 = arith.constant 8 : i32
      %xor3A_351 = vector.broadcast %xor3A_350 : i32 to vector<16xi32>
      %xor3A_352 = arith.xori %iota3A, %xor3A_351 : vector<16xi32>
      %lt3A_353 = arith.constant 0 : i32
      %lt3A_354 = vector.broadcast %lt3A_353 : i32 to vector<16xi32>
      %lt3A_355 = arith.cmpi slt, %xor3A_352, %lt3A_354 : vector<16xi32>
      %add3A_356 = arith.constant 16 : i32
      %add3A_357 = vector.broadcast %add3A_356 : i32 to vector<16xi32>
      %add3A_358 = arith.addi %xor3A_352, %add3A_357 : vector<16xi32>
      %select_n3A_359 = arith.select %lt3A_355, %add3A_358, %xor3A_352 : vector<16xi1>, vector<16xi32>
      %broadcast_in_dim3A_360 = vector.shape_cast %select_n3A_359 : vector<16xi32> to vector<16x1xi32>
      %gather3A_361 = vector.shape_cast %broadcast_in_dim3A_360 : vector<16x1xi32> to vector<16xi32>
      %gather3A_362 = tpu.dynamic_gather %get3A_209[%gather3A_361] in [0] : vector<16xf32>, vector<16xi32> -> vector<16xf32>
      %select_n3A_363 = arith.select %eq3A_335, %gather3A_362, %get3A_211 : vector<16xi1>, vector<16xf32>
      %add3A_364 = arith.addf %select_n3A_349, %select_n3A_363 : vector<16xf32>
      %and3A_365 = arith.constant 8 : i32
      %and3A_366 = vector.broadcast %and3A_365 : i32 to vector<16xi32>
      %and3A_367 = arith.andi %iota3A, %and3A_366 : vector<16xi32>
      %eq3A_368 = arith.constant 0 : i32
      %eq3A_369 = vector.broadcast %eq3A_368 : i32 to vector<16xi32>
      %eq3A_370 = arith.cmpi eq, %and3A_367, %eq3A_369 : vector<16xi32>
      %xor3A_371 = arith.constant 8 : i32
      %xor3A_372 = vector.broadcast %xor3A_371 : i32 to vector<16xi32>
      %xor3A_373 = arith.xori %iota3A, %xor3A_372 : vector<16xi32>
      %lt3A_374 = arith.constant 0 : i32
      %lt3A_375 = vector.broadcast %lt3A_374 : i32 to vector<16xi32>
      %lt3A_376 = arith.cmpi slt, %xor3A_373, %lt3A_375 : vector<16xi32>
      %add3A_377 = arith.constant 16 : i32
      %add3A_378 = vector.broadcast %add3A_377 : i32 to vector<16xi32>
      %add3A_379 = arith.addi %xor3A_373, %add3A_378 : vector<16xi32>
      %select_n3A_380 = arith.select %lt3A_376, %add3A_379, %xor3A_373 : vector<16xi1>, vector<16xi32>
      %broadcast_in_dim3A_381 = vector.shape_cast %select_n3A_380 : vector<16xi32> to vector<16x1xi32>
      %gather3A_382 = vector.shape_cast %broadcast_in_dim3A_381 : vector<16x1xi32> to vector<16xi32>
      %gather3A_383 = tpu.dynamic_gather %get3A_215[%gather3A_382] in [0] : vector<16xf32>, vector<16xi32> -> vector<16xf32>
      %select_n3A_384 = arith.select %eq3A_370, %get3A_213, %gather3A_383 : vector<16xi1>, vector<16xf32>
      %xor3A_385 = arith.constant 8 : i32
      %xor3A_386 = vector.broadcast %xor3A_385 : i32 to vector<16xi32>
      %xor3A_387 = arith.xori %iota3A, %xor3A_386 : vector<16xi32>
      %lt3A_388 = arith.constant 0 : i32
      %lt3A_389 = vector.broadcast %lt3A_388 : i32 to vector<16xi32>
      %lt3A_390 = arith.cmpi slt, %xor3A_387, %lt3A_389 : vector<16xi32>
      %add3A_391 = arith.constant 16 : i32
      %add3A_392 = vector.broadcast %add3A_391 : i32 to vector<16xi32>
      %add3A_393 = arith.addi %xor3A_387, %add3A_392 : vector<16xi32>
      %select_n3A_394 = arith.select %lt3A_390, %add3A_393, %xor3A_387 : vector<16xi1>, vector<16xi32>
      %broadcast_in_dim3A_395 = vector.shape_cast %select_n3A_394 : vector<16xi32> to vector<16x1xi32>
      %gather3A_396 = vector.shape_cast %broadcast_in_dim3A_395 : vector<16x1xi32> to vector<16xi32>
      %gather3A_397 = tpu.dynamic_gather %get3A_213[%gather3A_396] in [0] : vector<16xf32>, vector<16xi32> -> vector<16xf32>
      %select_n3A_398 = arith.select %eq3A_370, %gather3A_397, %get3A_215 : vector<16xi1>, vector<16xf32>
      %add3A_399 = arith.addf %select_n3A_384, %select_n3A_398 : vector<16xf32>
      %and3A_400 = arith.constant 8 : i32
      %and3A_401 = vector.broadcast %and3A_400 : i32 to vector<16xi32>
      %and3A_402 = arith.andi %iota3A, %and3A_401 : vector<16xi32>
      %eq3A_403 = arith.constant 0 : i32
      %eq3A_404 = vector.broadcast %eq3A_403 : i32 to vector<16xi32>
      %eq3A_405 = arith.cmpi eq, %and3A_402, %eq3A_404 : vector<16xi32>
      %xor3A_406 = arith.constant 8 : i32
      %xor3A_407 = vector.broadcast %xor3A_406 : i32 to vector<16xi32>
      %xor3A_408 = arith.xori %iota3A, %xor3A_407 : vector<16xi32>
      %lt3A_409 = arith.constant 0 : i32
      %lt3A_410 = vector.broadcast %lt3A_409 : i32 to vector<16xi32>
      %lt3A_411 = arith.cmpi slt, %xor3A_408, %lt3A_410 : vector<16xi32>
      %add3A_412 = arith.constant 16 : i32
      %add3A_413 = vector.broadcast %add3A_412 : i32 to vector<16xi32>
      %add3A_414 = arith.addi %xor3A_408, %add3A_413 : vector<16xi32>
      %select_n3A_415 = arith.select %lt3A_411, %add3A_414, %xor3A_408 : vector<16xi1>, vector<16xi32>
      %broadcast_in_dim3A_416 = vector.shape_cast %select_n3A_415 : vector<16xi32> to vector<16x1xi32>
      %gather3A_417 = vector.shape_cast %broadcast_in_dim3A_416 : vector<16x1xi32> to vector<16xi32>
      %gather3A_418 = tpu.dynamic_gather %get3A_219[%gather3A_417] in [0] : vector<16xf32>, vector<16xi32> -> vector<16xf32>
      %select_n3A_419 = arith.select %eq3A_405, %get3A_217, %gather3A_418 : vector<16xi1>, vector<16xf32>
      %xor3A_420 = arith.constant 8 : i32
      %xor3A_421 = vector.broadcast %xor3A_420 : i32 to vector<16xi32>
      %xor3A_422 = arith.xori %iota3A, %xor3A_421 : vector<16xi32>
      %lt3A_423 = arith.constant 0 : i32
      %lt3A_424 = vector.broadcast %lt3A_423 : i32 to vector<16xi32>
      %lt3A_425 = arith.cmpi slt, %xor3A_422, %lt3A_424 : vector<16xi32>
      %add3A_426 = arith.constant 16 : i32
      %add3A_427 = vector.broadcast %add3A_426 : i32 to vector<16xi32>
      %add3A_428 = arith.addi %xor3A_422, %add3A_427 : vector<16xi32>
      %select_n3A_429 = arith.select %lt3A_425, %add3A_428, %xor3A_422 : vector<16xi1>, vector<16xi32>
      %broadcast_in_dim3A_430 = vector.shape_cast %select_n3A_429 : vector<16xi32> to vector<16x1xi32>
      %gather3A_431 = vector.shape_cast %broadcast_in_dim3A_430 : vector<16x1xi32> to vector<16xi32>
      %gather3A_432 = tpu.dynamic_gather %get3A_217[%gather3A_431] in [0] : vector<16xf32>, vector<16xi32> -> vector<16xf32>
      %select_n3A_433 = arith.select %eq3A_405, %gather3A_432, %get3A_219 : vector<16xi1>, vector<16xf32>
      %add3A_434 = arith.addf %select_n3A_419, %select_n3A_433 : vector<16xf32>
      %and3A_435 = arith.constant 8 : i32
      %and3A_436 = vector.broadcast %and3A_435 : i32 to vector<16xi32>
      %and3A_437 = arith.andi %iota3A, %and3A_436 : vector<16xi32>
      %eq3A_438 = arith.constant 0 : i32
      %eq3A_439 = vector.broadcast %eq3A_438 : i32 to vector<16xi32>
      %eq3A_440 = arith.cmpi eq, %and3A_437, %eq3A_439 : vector<16xi32>
      %xor3A_441 = arith.constant 8 : i32
      %xor3A_442 = vector.broadcast %xor3A_441 : i32 to vector<16xi32>
      %xor3A_443 = arith.xori %iota3A, %xor3A_442 : vector<16xi32>
      %lt3A_444 = arith.constant 0 : i32
      %lt3A_445 = vector.broadcast %lt3A_444 : i32 to vector<16xi32>
      %lt3A_446 = arith.cmpi slt, %xor3A_443, %lt3A_445 : vector<16xi32>
      %add3A_447 = arith.constant 16 : i32
      %add3A_448 = vector.broadcast %add3A_447 : i32 to vector<16xi32>
      %add3A_449 = arith.addi %xor3A_443, %add3A_448 : vector<16xi32>
      %select_n3A_450 = arith.select %lt3A_446, %add3A_449, %xor3A_443 : vector<16xi1>, vector<16xi32>
      %broadcast_in_dim3A_451 = vector.shape_cast %select_n3A_450 : vector<16xi32> to vector<16x1xi32>
      %gather3A_452 = vector.shape_cast %broadcast_in_dim3A_451 : vector<16x1xi32> to vector<16xi32>
      %gather3A_453 = tpu.dynamic_gather %get3A_223[%gather3A_452] in [0] : vector<16xf32>, vector<16xi32> -> vector<16xf32>
      %select_n3A_454 = arith.select %eq3A_440, %get3A_221, %gather3A_453 : vector<16xi1>, vector<16xf32>
      %xor3A_455 = arith.constant 8 : i32
      %xor3A_456 = vector.broadcast %xor3A_455 : i32 to vector<16xi32>
      %xor3A_457 = arith.xori %iota3A, %xor3A_456 : vector<16xi32>
      %lt3A_458 = arith.constant 0 : i32
      %lt3A_459 = vector.broadcast %lt3A_458 : i32 to vector<16xi32>
      %lt3A_460 = arith.cmpi slt, %xor3A_457, %lt3A_459 : vector<16xi32>
      %add3A_461 = arith.constant 16 : i32
      %add3A_462 = vector.broadcast %add3A_461 : i32 to vector<16xi32>
      %add3A_463 = arith.addi %xor3A_457, %add3A_462 : vector<16xi32>
      %select_n3A_464 = arith.select %lt3A_460, %add3A_463, %xor3A_457 : vector<16xi1>, vector<16xi32>
      %broadcast_in_dim3A_465 = vector.shape_cast %select_n3A_464 : vector<16xi32> to vector<16x1xi32>
      %gather3A_466 = vector.shape_cast %broadcast_in_dim3A_465 : vector<16x1xi32> to vector<16xi32>
      %gather3A_467 = tpu.dynamic_gather %get3A_221[%gather3A_466] in [0] : vector<16xf32>, vector<16xi32> -> vector<16xf32>
      %select_n3A_468 = arith.select %eq3A_440, %gather3A_467, %get3A_223 : vector<16xi1>, vector<16xf32>
      %add3A_469 = arith.addf %select_n3A_454, %select_n3A_468 : vector<16xf32>
      %and3A_470 = arith.constant 8 : i32
      %and3A_471 = vector.broadcast %and3A_470 : i32 to vector<16xi32>
      %and3A_472 = arith.andi %iota3A, %and3A_471 : vector<16xi32>
      %eq3A_473 = arith.constant 0 : i32
      %eq3A_474 = vector.broadcast %eq3A_473 : i32 to vector<16xi32>
      %eq3A_475 = arith.cmpi eq, %and3A_472, %eq3A_474 : vector<16xi32>
      %xor3A_476 = arith.constant 8 : i32
      %xor3A_477 = vector.broadcast %xor3A_476 : i32 to vector<16xi32>
      %xor3A_478 = arith.xori %iota3A, %xor3A_477 : vector<16xi32>
      %lt3A_479 = arith.constant 0 : i32
      %lt3A_480 = vector.broadcast %lt3A_479 : i32 to vector<16xi32>
      %lt3A_481 = arith.cmpi slt, %xor3A_478, %lt3A_480 : vector<16xi32>
      %add3A_482 = arith.constant 16 : i32
      %add3A_483 = vector.broadcast %add3A_482 : i32 to vector<16xi32>
      %add3A_484 = arith.addi %xor3A_478, %add3A_483 : vector<16xi32>
      %select_n3A_485 = arith.select %lt3A_481, %add3A_484, %xor3A_478 : vector<16xi1>, vector<16xi32>
      %broadcast_in_dim3A_486 = vector.shape_cast %select_n3A_485 : vector<16xi32> to vector<16x1xi32>
      %gather3A_487 = vector.shape_cast %broadcast_in_dim3A_486 : vector<16x1xi32> to vector<16xi32>
      %gather3A_488 = tpu.dynamic_gather %get3A_227[%gather3A_487] in [0] : vector<16xf32>, vector<16xi32> -> vector<16xf32>
      %select_n3A_489 = arith.select %eq3A_475, %get3A_225, %gather3A_488 : vector<16xi1>, vector<16xf32>
      %xor3A_490 = arith.constant 8 : i32
      %xor3A_491 = vector.broadcast %xor3A_490 : i32 to vector<16xi32>
      %xor3A_492 = arith.xori %iota3A, %xor3A_491 : vector<16xi32>
      %lt3A_493 = arith.constant 0 : i32
      %lt3A_494 = vector.broadcast %lt3A_493 : i32 to vector<16xi32>
      %lt3A_495 = arith.cmpi slt, %xor3A_492, %lt3A_494 : vector<16xi32>
      %add3A_496 = arith.constant 16 : i32
      %add3A_497 = vector.broadcast %add3A_496 : i32 to vector<16xi32>
      %add3A_498 = arith.addi %xor3A_492, %add3A_497 : vector<16xi32>
      %select_n3A_499 = arith.select %lt3A_495, %add3A_498, %xor3A_492 : vector<16xi1>, vector<16xi32>
      %broadcast_in_dim3A_500 = vector.shape_cast %select_n3A_499 : vector<16xi32> to vector<16x1xi32>
      %gather3A_501 = vector.shape_cast %broadcast_in_dim3A_500 : vector<16x1xi32> to vector<16xi32>
      %gather3A_502 = tpu.dynamic_gather %get3A_225[%gather3A_501] in [0] : vector<16xf32>, vector<16xi32> -> vector<16xf32>
      %select_n3A_503 = arith.select %eq3A_475, %gather3A_502, %get3A_227 : vector<16xi1>, vector<16xf32>
      %add3A_504 = arith.addf %select_n3A_489, %select_n3A_503 : vector<16xf32>
      %and3A_505 = arith.constant 4 : i32
      %and3A_506 = vector.broadcast %and3A_505 : i32 to vector<16xi32>
      %and3A_507 = arith.andi %iota3A, %and3A_506 : vector<16xi32>
      %eq3A_508 = arith.constant 0 : i32
      %eq3A_509 = vector.broadcast %eq3A_508 : i32 to vector<16xi32>
      %eq3A_510 = arith.cmpi eq, %and3A_507, %eq3A_509 : vector<16xi32>
      %xor3A_511 = arith.constant 4 : i32
      %xor3A_512 = vector.broadcast %xor3A_511 : i32 to vector<16xi32>
      %xor3A_513 = arith.xori %iota3A, %xor3A_512 : vector<16xi32>
      %lt3A_514 = arith.constant 0 : i32
      %lt3A_515 = vector.broadcast %lt3A_514 : i32 to vector<16xi32>
      %lt3A_516 = arith.cmpi slt, %xor3A_513, %lt3A_515 : vector<16xi32>
      %add3A_517 = arith.constant 16 : i32
      %add3A_518 = vector.broadcast %add3A_517 : i32 to vector<16xi32>
      %add3A_519 = arith.addi %xor3A_513, %add3A_518 : vector<16xi32>
      %select_n3A_520 = arith.select %lt3A_516, %add3A_519, %xor3A_513 : vector<16xi1>, vector<16xi32>
      %broadcast_in_dim3A_521 = vector.shape_cast %select_n3A_520 : vector<16xi32> to vector<16x1xi32>
      %gather3A_522 = vector.shape_cast %broadcast_in_dim3A_521 : vector<16x1xi32> to vector<16xi32>
      %gather3A_523 = tpu.dynamic_gather %add3A_294[%gather3A_522] in [0] : vector<16xf32>, vector<16xi32> -> vector<16xf32>
      %select_n3A_524 = arith.select %eq3A_510, %add3A_259, %gather3A_523 : vector<16xi1>, vector<16xf32>
      %xor3A_525 = arith.constant 4 : i32
      %xor3A_526 = vector.broadcast %xor3A_525 : i32 to vector<16xi32>
      %xor3A_527 = arith.xori %iota3A, %xor3A_526 : vector<16xi32>
      %lt3A_528 = arith.constant 0 : i32
      %lt3A_529 = vector.broadcast %lt3A_528 : i32 to vector<16xi32>
      %lt3A_530 = arith.cmpi slt, %xor3A_527, %lt3A_529 : vector<16xi32>
      %add3A_531 = arith.constant 16 : i32
      %add3A_532 = vector.broadcast %add3A_531 : i32 to vector<16xi32>
      %add3A_533 = arith.addi %xor3A_527, %add3A_532 : vector<16xi32>
      %select_n3A_534 = arith.select %lt3A_530, %add3A_533, %xor3A_527 : vector<16xi1>, vector<16xi32>
      %broadcast_in_dim3A_535 = vector.shape_cast %select_n3A_534 : vector<16xi32> to vector<16x1xi32>
      %gather3A_536 = vector.shape_cast %broadcast_in_dim3A_535 : vector<16x1xi32> to vector<16xi32>
      %gather3A_537 = tpu.dynamic_gather %add3A_259[%gather3A_536] in [0] : vector<16xf32>, vector<16xi32> -> vector<16xf32>
      %select_n3A_538 = arith.select %eq3A_510, %gather3A_537, %add3A_294 : vector<16xi1>, vector<16xf32>
      %add3A_539 = arith.addf %select_n3A_524, %select_n3A_538 : vector<16xf32>
      %and3A_540 = arith.constant 4 : i32
      %and3A_541 = vector.broadcast %and3A_540 : i32 to vector<16xi32>
      %and3A_542 = arith.andi %iota3A, %and3A_541 : vector<16xi32>
      %eq3A_543 = arith.constant 0 : i32
      %eq3A_544 = vector.broadcast %eq3A_543 : i32 to vector<16xi32>
      %eq3A_545 = arith.cmpi eq, %and3A_542, %eq3A_544 : vector<16xi32>
      %xor3A_546 = arith.constant 4 : i32
      %xor3A_547 = vector.broadcast %xor3A_546 : i32 to vector<16xi32>
      %xor3A_548 = arith.xori %iota3A, %xor3A_547 : vector<16xi32>
      %lt3A_549 = arith.constant 0 : i32
      %lt3A_550 = vector.broadcast %lt3A_549 : i32 to vector<16xi32>
      %lt3A_551 = arith.cmpi slt, %xor3A_548, %lt3A_550 : vector<16xi32>
      %add3A_552 = arith.constant 16 : i32
      %add3A_553 = vector.broadcast %add3A_552 : i32 to vector<16xi32>
      %add3A_554 = arith.addi %xor3A_548, %add3A_553 : vector<16xi32>
      %select_n3A_555 = arith.select %lt3A_551, %add3A_554, %xor3A_548 : vector<16xi1>, vector<16xi32>
      %broadcast_in_dim3A_556 = vector.shape_cast %select_n3A_555 : vector<16xi32> to vector<16x1xi32>
      %gather3A_557 = vector.shape_cast %broadcast_in_dim3A_556 : vector<16x1xi32> to vector<16xi32>
      %gather3A_558 = tpu.dynamic_gather %add3A_364[%gather3A_557] in [0] : vector<16xf32>, vector<16xi32> -> vector<16xf32>
      %select_n3A_559 = arith.select %eq3A_545, %add3A_329, %gather3A_558 : vector<16xi1>, vector<16xf32>
      %xor3A_560 = arith.constant 4 : i32
      %xor3A_561 = vector.broadcast %xor3A_560 : i32 to vector<16xi32>
      %xor3A_562 = arith.xori %iota3A, %xor3A_561 : vector<16xi32>
      %lt3A_563 = arith.constant 0 : i32
      %lt3A_564 = vector.broadcast %lt3A_563 : i32 to vector<16xi32>
      %lt3A_565 = arith.cmpi slt, %xor3A_562, %lt3A_564 : vector<16xi32>
      %add3A_566 = arith.constant 16 : i32
      %add3A_567 = vector.broadcast %add3A_566 : i32 to vector<16xi32>
      %add3A_568 = arith.addi %xor3A_562, %add3A_567 : vector<16xi32>
      %select_n3A_569 = arith.select %lt3A_565, %add3A_568, %xor3A_562 : vector<16xi1>, vector<16xi32>
      %broadcast_in_dim3A_570 = vector.shape_cast %select_n3A_569 : vector<16xi32> to vector<16x1xi32>
      %gather3A_571 = vector.shape_cast %broadcast_in_dim3A_570 : vector<16x1xi32> to vector<16xi32>
      %gather3A_572 = tpu.dynamic_gather %add3A_329[%gather3A_571] in [0] : vector<16xf32>, vector<16xi32> -> vector<16xf32>
      %select_n3A_573 = arith.select %eq3A_545, %gather3A_572, %add3A_364 : vector<16xi1>, vector<16xf32>
      %add3A_574 = arith.addf %select_n3A_559, %select_n3A_573 : vector<16xf32>
      %and3A_575 = arith.constant 4 : i32
      %and3A_576 = vector.broadcast %and3A_575 : i32 to vector<16xi32>
      %and3A_577 = arith.andi %iota3A, %and3A_576 : vector<16xi32>
      %eq3A_578 = arith.constant 0 : i32
      %eq3A_579 = vector.broadcast %eq3A_578 : i32 to vector<16xi32>
      %eq3A_580 = arith.cmpi eq, %and3A_577, %eq3A_579 : vector<16xi32>
      %xor3A_581 = arith.constant 4 : i32
      %xor3A_582 = vector.broadcast %xor3A_581 : i32 to vector<16xi32>
      %xor3A_583 = arith.xori %iota3A, %xor3A_582 : vector<16xi32>
      %lt3A_584 = arith.constant 0 : i32
      %lt3A_585 = vector.broadcast %lt3A_584 : i32 to vector<16xi32>
      %lt3A_586 = arith.cmpi slt, %xor3A_583, %lt3A_585 : vector<16xi32>
      %add3A_587 = arith.constant 16 : i32
      %add3A_588 = vector.broadcast %add3A_587 : i32 to vector<16xi32>
      %add3A_589 = arith.addi %xor3A_583, %add3A_588 : vector<16xi32>
      %select_n3A_590 = arith.select %lt3A_586, %add3A_589, %xor3A_583 : vector<16xi1>, vector<16xi32>
      %broadcast_in_dim3A_591 = vector.shape_cast %select_n3A_590 : vector<16xi32> to vector<16x1xi32>
      %gather3A_592 = vector.shape_cast %broadcast_in_dim3A_591 : vector<16x1xi32> to vector<16xi32>
      %gather3A_593 = tpu.dynamic_gather %add3A_434[%gather3A_592] in [0] : vector<16xf32>, vector<16xi32> -> vector<16xf32>
      %select_n3A_594 = arith.select %eq3A_580, %add3A_399, %gather3A_593 : vector<16xi1>, vector<16xf32>
      %xor3A_595 = arith.constant 4 : i32
      %xor3A_596 = vector.broadcast %xor3A_595 : i32 to vector<16xi32>
      %xor3A_597 = arith.xori %iota3A, %xor3A_596 : vector<16xi32>
      %lt3A_598 = arith.constant 0 : i32
      %lt3A_599 = vector.broadcast %lt3A_598 : i32 to vector<16xi32>
      %lt3A_600 = arith.cmpi slt, %xor3A_597, %lt3A_599 : vector<16xi32>
      %add3A_601 = arith.constant 16 : i32
      %add3A_602 = vector.broadcast %add3A_601 : i32 to vector<16xi32>
      %add3A_603 = arith.addi %xor3A_597, %add3A_602 : vector<16xi32>
      %select_n3A_604 = arith.select %lt3A_600, %add3A_603, %xor3A_597 : vector<16xi1>, vector<16xi32>
      %broadcast_in_dim3A_605 = vector.shape_cast %select_n3A_604 : vector<16xi32> to vector<16x1xi32>
      %gather3A_606 = vector.shape_cast %broadcast_in_dim3A_605 : vector<16x1xi32> to vector<16xi32>
      %gather3A_607 = tpu.dynamic_gather %add3A_399[%gather3A_606] in [0] : vector<16xf32>, vector<16xi32> -> vector<16xf32>
      %select_n3A_608 = arith.select %eq3A_580, %gather3A_607, %add3A_434 : vector<16xi1>, vector<16xf32>
      %add3A_609 = arith.addf %select_n3A_594, %select_n3A_608 : vector<16xf32>
      %and3A_610 = arith.constant 4 : i32
      %and3A_611 = vector.broadcast %and3A_610 : i32 to vector<16xi32>
      %and3A_612 = arith.andi %iota3A, %and3A_611 : vector<16xi32>
      %eq3A_613 = arith.constant 0 : i32
      %eq3A_614 = vector.broadcast %eq3A_613 : i32 to vector<16xi32>
      %eq3A_615 = arith.cmpi eq, %and3A_612, %eq3A_614 : vector<16xi32>
      %xor3A_616 = arith.constant 4 : i32
      %xor3A_617 = vector.broadcast %xor3A_616 : i32 to vector<16xi32>
      %xor3A_618 = arith.xori %iota3A, %xor3A_617 : vector<16xi32>
      %lt3A_619 = arith.constant 0 : i32
      %lt3A_620 = vector.broadcast %lt3A_619 : i32 to vector<16xi32>
      %lt3A_621 = arith.cmpi slt, %xor3A_618, %lt3A_620 : vector<16xi32>
      %add3A_622 = arith.constant 16 : i32
      %add3A_623 = vector.broadcast %add3A_622 : i32 to vector<16xi32>
      %add3A_624 = arith.addi %xor3A_618, %add3A_623 : vector<16xi32>
      %select_n3A_625 = arith.select %lt3A_621, %add3A_624, %xor3A_618 : vector<16xi1>, vector<16xi32>
      %broadcast_in_dim3A_626 = vector.shape_cast %select_n3A_625 : vector<16xi32> to vector<16x1xi32>
      %gather3A_627 = vector.shape_cast %broadcast_in_dim3A_626 : vector<16x1xi32> to vector<16xi32>
      %gather3A_628 = tpu.dynamic_gather %add3A_504[%gather3A_627] in [0] : vector<16xf32>, vector<16xi32> -> vector<16xf32>
      %select_n3A_629 = arith.select %eq3A_615, %add3A_469, %gather3A_628 : vector<16xi1>, vector<16xf32>
      %xor3A_630 = arith.constant 4 : i32
      %xor3A_631 = vector.broadcast %xor3A_630 : i32 to vector<16xi32>
      %xor3A_632 = arith.xori %iota3A, %xor3A_631 : vector<16xi32>
      %lt3A_633 = arith.constant 0 : i32
      %lt3A_634 = vector.broadcast %lt3A_633 : i32 to vector<16xi32>
      %lt3A_635 = arith.cmpi slt, %xor3A_632, %lt3A_634 : vector<16xi32>
      %add3A_636 = arith.constant 16 : i32
      %add3A_637 = vector.broadcast %add3A_636 : i32 to vector<16xi32>
      %add3A_638 = arith.addi %xor3A_632, %add3A_637 : vector<16xi32>
      %select_n3A_639 = arith.select %lt3A_635, %add3A_638, %xor3A_632 : vector<16xi1>, vector<16xi32>
      %broadcast_in_dim3A_640 = vector.shape_cast %select_n3A_639 : vector<16xi32> to vector<16x1xi32>
      %gather3A_641 = vector.shape_cast %broadcast_in_dim3A_640 : vector<16x1xi32> to vector<16xi32>
      %gather3A_642 = tpu.dynamic_gather %add3A_469[%gather3A_641] in [0] : vector<16xf32>, vector<16xi32> -> vector<16xf32>
      %select_n3A_643 = arith.select %eq3A_615, %gather3A_642, %add3A_504 : vector<16xi1>, vector<16xf32>
      %add3A_644 = arith.addf %select_n3A_629, %select_n3A_643 : vector<16xf32>
      %and3A_645 = arith.constant 2 : i32
      %and3A_646 = vector.broadcast %and3A_645 : i32 to vector<16xi32>
      %and3A_647 = arith.andi %iota3A, %and3A_646 : vector<16xi32>
      %eq3A_648 = arith.constant 0 : i32
      %eq3A_649 = vector.broadcast %eq3A_648 : i32 to vector<16xi32>
      %eq3A_650 = arith.cmpi eq, %and3A_647, %eq3A_649 : vector<16xi32>
      %xor3A_651 = arith.constant 2 : i32
      %xor3A_652 = vector.broadcast %xor3A_651 : i32 to vector<16xi32>
      %xor3A_653 = arith.xori %iota3A, %xor3A_652 : vector<16xi32>
      %lt3A_654 = arith.constant 0 : i32
      %lt3A_655 = vector.broadcast %lt3A_654 : i32 to vector<16xi32>
      %lt3A_656 = arith.cmpi slt, %xor3A_653, %lt3A_655 : vector<16xi32>
      %add3A_657 = arith.constant 16 : i32
      %add3A_658 = vector.broadcast %add3A_657 : i32 to vector<16xi32>
      %add3A_659 = arith.addi %xor3A_653, %add3A_658 : vector<16xi32>
      %select_n3A_660 = arith.select %lt3A_656, %add3A_659, %xor3A_653 : vector<16xi1>, vector<16xi32>
      %broadcast_in_dim3A_661 = vector.shape_cast %select_n3A_660 : vector<16xi32> to vector<16x1xi32>
      %gather3A_662 = vector.shape_cast %broadcast_in_dim3A_661 : vector<16x1xi32> to vector<16xi32>
      %gather3A_663 = tpu.dynamic_gather %add3A_574[%gather3A_662] in [0] : vector<16xf32>, vector<16xi32> -> vector<16xf32>
      %select_n3A_664 = arith.select %eq3A_650, %add3A_539, %gather3A_663 : vector<16xi1>, vector<16xf32>
      %xor3A_665 = arith.constant 2 : i32
      %xor3A_666 = vector.broadcast %xor3A_665 : i32 to vector<16xi32>
      %xor3A_667 = arith.xori %iota3A, %xor3A_666 : vector<16xi32>
      %lt3A_668 = arith.constant 0 : i32
      %lt3A_669 = vector.broadcast %lt3A_668 : i32 to vector<16xi32>
      %lt3A_670 = arith.cmpi slt, %xor3A_667, %lt3A_669 : vector<16xi32>
      %add3A_671 = arith.constant 16 : i32
      %add3A_672 = vector.broadcast %add3A_671 : i32 to vector<16xi32>
      %add3A_673 = arith.addi %xor3A_667, %add3A_672 : vector<16xi32>
      %select_n3A_674 = arith.select %lt3A_670, %add3A_673, %xor3A_667 : vector<16xi1>, vector<16xi32>
      %broadcast_in_dim3A_675 = vector.shape_cast %select_n3A_674 : vector<16xi32> to vector<16x1xi32>
      %gather3A_676 = vector.shape_cast %broadcast_in_dim3A_675 : vector<16x1xi32> to vector<16xi32>
      %gather3A_677 = tpu.dynamic_gather %add3A_539[%gather3A_676] in [0] : vector<16xf32>, vector<16xi32> -> vector<16xf32>
      %select_n3A_678 = arith.select %eq3A_650, %gather3A_677, %add3A_574 : vector<16xi1>, vector<16xf32>
      %add3A_679 = arith.addf %select_n3A_664, %select_n3A_678 : vector<16xf32>
      %and3A_680 = arith.constant 2 : i32
      %and3A_681 = vector.broadcast %and3A_680 : i32 to vector<16xi32>
      %and3A_682 = arith.andi %iota3A, %and3A_681 : vector<16xi32>
      %eq3A_683 = arith.constant 0 : i32
      %eq3A_684 = vector.broadcast %eq3A_683 : i32 to vector<16xi32>
      %eq3A_685 = arith.cmpi eq, %and3A_682, %eq3A_684 : vector<16xi32>
      %xor3A_686 = arith.constant 2 : i32
      %xor3A_687 = vector.broadcast %xor3A_686 : i32 to vector<16xi32>
      %xor3A_688 = arith.xori %iota3A, %xor3A_687 : vector<16xi32>
      %lt3A_689 = arith.constant 0 : i32
      %lt3A_690 = vector.broadcast %lt3A_689 : i32 to vector<16xi32>
      %lt3A_691 = arith.cmpi slt, %xor3A_688, %lt3A_690 : vector<16xi32>
      %add3A_692 = arith.constant 16 : i32
      %add3A_693 = vector.broadcast %add3A_692 : i32 to vector<16xi32>
      %add3A_694 = arith.addi %xor3A_688, %add3A_693 : vector<16xi32>
      %select_n3A_695 = arith.select %lt3A_691, %add3A_694, %xor3A_688 : vector<16xi1>, vector<16xi32>
      %broadcast_in_dim3A_696 = vector.shape_cast %select_n3A_695 : vector<16xi32> to vector<16x1xi32>
      %gather3A_697 = vector.shape_cast %broadcast_in_dim3A_696 : vector<16x1xi32> to vector<16xi32>
      %gather3A_698 = tpu.dynamic_gather %add3A_644[%gather3A_697] in [0] : vector<16xf32>, vector<16xi32> -> vector<16xf32>
      %select_n3A_699 = arith.select %eq3A_685, %add3A_609, %gather3A_698 : vector<16xi1>, vector<16xf32>
      %xor3A_700 = arith.constant 2 : i32
      %xor3A_701 = vector.broadcast %xor3A_700 : i32 to vector<16xi32>
      %xor3A_702 = arith.xori %iota3A, %xor3A_701 : vector<16xi32>
      %lt3A_703 = arith.constant 0 : i32
      %lt3A_704 = vector.broadcast %lt3A_703 : i32 to vector<16xi32>
      %lt3A_705 = arith.cmpi slt, %xor3A_702, %lt3A_704 : vector<16xi32>
      %add3A_706 = arith.constant 16 : i32
      %add3A_707 = vector.broadcast %add3A_706 : i32 to vector<16xi32>
      %add3A_708 = arith.addi %xor3A_702, %add3A_707 : vector<16xi32>
      %select_n3A_709 = arith.select %lt3A_705, %add3A_708, %xor3A_702 : vector<16xi1>, vector<16xi32>
      %broadcast_in_dim3A_710 = vector.shape_cast %select_n3A_709 : vector<16xi32> to vector<16x1xi32>
      %gather3A_711 = vector.shape_cast %broadcast_in_dim3A_710 : vector<16x1xi32> to vector<16xi32>
      %gather3A_712 = tpu.dynamic_gather %add3A_609[%gather3A_711] in [0] : vector<16xf32>, vector<16xi32> -> vector<16xf32>
      %select_n3A_713 = arith.select %eq3A_685, %gather3A_712, %add3A_644 : vector<16xi1>, vector<16xf32>
      %add3A_714 = arith.addf %select_n3A_699, %select_n3A_713 : vector<16xf32>
      %and3A_715 = arith.constant 1 : i32
      %and3A_716 = vector.broadcast %and3A_715 : i32 to vector<16xi32>
      %and3A_717 = arith.andi %iota3A, %and3A_716 : vector<16xi32>
      %eq3A_718 = arith.constant 0 : i32
      %eq3A_719 = vector.broadcast %eq3A_718 : i32 to vector<16xi32>
      %eq3A_720 = arith.cmpi eq, %and3A_717, %eq3A_719 : vector<16xi32>
      %xor3A_721 = arith.constant 1 : i32
      %xor3A_722 = vector.broadcast %xor3A_721 : i32 to vector<16xi32>
      %xor3A_723 = arith.xori %iota3A, %xor3A_722 : vector<16xi32>
      %lt3A_724 = arith.constant 0 : i32
      %lt3A_725 = vector.broadcast %lt3A_724 : i32 to vector<16xi32>
      %lt3A_726 = arith.cmpi slt, %xor3A_723, %lt3A_725 : vector<16xi32>
      %add3A_727 = arith.constant 16 : i32
      %add3A_728 = vector.broadcast %add3A_727 : i32 to vector<16xi32>
      %add3A_729 = arith.addi %xor3A_723, %add3A_728 : vector<16xi32>
      %select_n3A_730 = arith.select %lt3A_726, %add3A_729, %xor3A_723 : vector<16xi1>, vector<16xi32>
      %broadcast_in_dim3A_731 = vector.shape_cast %select_n3A_730 : vector<16xi32> to vector<16x1xi32>
      %gather3A_732 = vector.shape_cast %broadcast_in_dim3A_731 : vector<16x1xi32> to vector<16xi32>
      %gather3A_733 = tpu.dynamic_gather %add3A_714[%gather3A_732] in [0] : vector<16xf32>, vector<16xi32> -> vector<16xf32>
      %select_n3A_734 = arith.select %eq3A_720, %add3A_679, %gather3A_733 : vector<16xi1>, vector<16xf32>
      %xor3A_735 = arith.constant 1 : i32
      %xor3A_736 = vector.broadcast %xor3A_735 : i32 to vector<16xi32>
      %xor3A_737 = arith.xori %iota3A, %xor3A_736 : vector<16xi32>
      %lt3A_738 = arith.constant 0 : i32
      %lt3A_739 = vector.broadcast %lt3A_738 : i32 to vector<16xi32>
      %lt3A_740 = arith.cmpi slt, %xor3A_737, %lt3A_739 : vector<16xi32>
      %add3A_741 = arith.constant 16 : i32
      %add3A_742 = vector.broadcast %add3A_741 : i32 to vector<16xi32>
      %add3A_743 = arith.addi %xor3A_737, %add3A_742 : vector<16xi32>
      %select_n3A_744 = arith.select %lt3A_740, %add3A_743, %xor3A_737 : vector<16xi1>, vector<16xi32>
      %broadcast_in_dim3A_745 = vector.shape_cast %select_n3A_744 : vector<16xi32> to vector<16x1xi32>
      %gather3A_746 = vector.shape_cast %broadcast_in_dim3A_745 : vector<16x1xi32> to vector<16xi32>
      %gather3A_747 = tpu.dynamic_gather %add3A_679[%gather3A_746] in [0] : vector<16xf32>, vector<16xi32> -> vector<16xf32>
      %select_n3A_748 = arith.select %eq3A_720, %gather3A_747, %add3A_714 : vector<16xi1>, vector<16xf32>
      %add3A_749 = arith.addf %select_n3A_734, %select_n3A_748 : vector<16xf32>
      %lt3A_750 = arith.constant 0 : i32
      %lt3A_751 = vector.broadcast %lt3A_750 : i32 to vector<16xi32>
      %lt3A_752 = arith.cmpi slt, %or3A_23, %lt3A_751 : vector<16xi32>
      %add3A_753 = arith.constant 16 : i32
      %add3A_754 = vector.broadcast %add3A_753 : i32 to vector<16xi32>
      %add3A_755 = arith.addi %or3A_23, %add3A_754 : vector<16xi32>
      %select_n3A_756 = arith.select %lt3A_752, %add3A_755, %or3A_23 : vector<16xi1>, vector<16xi32>
      %broadcast_in_dim3A_757 = vector.shape_cast %select_n3A_756 : vector<16xi32> to vector<16x1xi32>
      %gather3A_758 = vector.shape_cast %broadcast_in_dim3A_757 : vector<16x1xi32> to vector<16xi32>
      %gather3A_759 = tpu.dynamic_gather %add3A_749[%gather3A_758] in [0] : vector<16xf32>, vector<16xi32> -> vector<16xf32>
      %mul3A_760 = arith.constant 16 : i32
      %mul3A_761 = arith.muli %scan3A_150, %mul3A_760 : i32
      %add3A_762 = arith.constant 0 : i32
      %add3A_763 = arith.addi %mul3A_761, %add3A_762 : i32
      %swap3A = arith.index_cast %add3A_763 : i32 to index
      %swap3A_764 = tpu.vector_load %arg5[%swap3A] {strides = array<i32>} : memref<512xf32, #tpu.memory_space<vmem>>, vector<16xf32>,
      tpu.vector_store %arg5[%swap3A], %gather3A_759 {strides = array<i32>} : memref<512xf32, #tpu.memory_space<vmem>>, vector<16xf32>,
      %add3A_765 = arith.constant 6 : i32
      %add3A_766 = arith.addi %scan3A_150, %add3A_765 : i32
      %lt3A_767 = arith.constant 32 : i32
      %lt3A_768 = arith.cmpi slt, %add3A_766, %lt3A_767 : i32
      %convert_element_type3A = arith.extui %lt3A_768 : i1 to i32
      %cond3A = arith.constant 0 : i32
      %cond3A_769 = arith.cmpi ne, %convert_element_type3A, %cond3A : i32
      scf.if %cond3A_769 {
        %add3A_770 = arith.constant 6 : i32
        %add3A_771 = arith.addi %scan3A_150, %add3A_770 : i32
        %mul3A_772 = arith.constant 512 : i32
        %mul3A_773 = arith.muli %add3A, %mul3A_772 : i32
        %mul3A_774 = arith.constant 16 : i32
        %mul3A_775 = arith.muli %add3A_771, %mul3A_774 : i32
        %add3A_776 = arith.addi %mul3A_773, %mul3A_775 : i32
        %jit3A_777 = arith.constant 6 : i32
        %eq3A_778 = arith.constant 0 : i32
        %eq3A_779 = arith.cmpi eq, %jit3A_777, %eq3A_778 : i32
        %jit3A_780 = arith.constant 1 : i32
        %select_n3A_781 = arith.select %eq3A_779, %jit3A_780, %jit3A_777 : i32
        %rem3A_782 = arith.remsi %add3A_771, %select_n3A_781 : i32
        %ne3A_783 = arith.constant 0 : i32
        %ne3A_784 = arith.cmpi ne, %rem3A_782, %ne3A_783 : i32
        %lt3A_785 = arith.constant 0 : i32
        %lt3A_786 = arith.cmpi slt, %rem3A_782, %lt3A_785 : i32
        %lt3A_787 = arith.constant 0 : i32
        %lt3A_788 = arith.cmpi slt, %select_n3A_781, %lt3A_787 : i32
        %ne3A_789 = arith.xori %lt3A_786, %lt3A_788 : i1
        %and3A_790 = arith.andi %ne3A_789, %ne3A_784 : i1
        %add3A_791 = arith.addi %rem3A_782, %select_n3A_781 : i32
        %select_n3A_792 = arith.select %and3A_790, %add3A_791, %rem3A_782 : i32
        %dma_start3A_793 = arith.constant 0 : i32
        %dma_start3A_794 = arith.constant 0 : i32
        %dma_start3A_795 = tpu.memref_slice %arg4[%select_n3A_792, %dma_start3A_793, %dma_start3A_794] : memref<6x16x1024xf32, #tpu.memory_space<vmem>> -> memref<1x16x1024xf32, #tpu.memory_space<vmem>>
        %dma_start3A_796 = tpu.memref_squeeze %dma_start3A_795 : memref<1x16x1024xf32, #tpu.memory_space<vmem>> -> memref<16x1024xf32, #tpu.memory_space<vmem>>
        %dma_start3A_797 = arith.constant 0 : i32
        %dma_start3A_798 = tpu.memref_slice %arg2[%add3A_776, %dma_start3A_797] : memref<16384x1024xf32, #tpu.memory_space<hbm>> -> memref<16x1024xf32, #tpu.memory_space<hbm>>
        %dma_start3A_799 = tpu.memref_slice %arg7[%select_n3A_792] : memref<6x!tpu.dma_semaphore, #tpu.memory_space<semaphore_mem>> -> memref<1x!tpu.dma_semaphore, #tpu.memory_space<semaphore_mem>>
        %dma_start3A_800 = tpu.memref_squeeze %dma_start3A_799 : memref<1x!tpu.dma_semaphore, #tpu.memory_space<semaphore_mem>> -> memref<!tpu.dma_semaphore, #tpu.memory_space<semaphore_mem>>
        %dma_start3A_801 = arith.constant 0 : i32
        %dma_start3A_802 = arith.constant 0 : i32
        %dma_start3A_803 = tpu.memref_slice %arg4[%select_n3A_792, %dma_start3A_801, %dma_start3A_802] : memref<6x16x1024xf32, #tpu.memory_space<vmem>> -> memref<1x16x1024xf32, #tpu.memory_space<vmem>>
        %dma_start3A_804 = tpu.memref_squeeze %dma_start3A_803 : memref<1x16x1024xf32, #tpu.memory_space<vmem>> -> memref<16x1024xf32, #tpu.memory_space<vmem>>
        %dma_start3A_805 = arith.constant 0 : i32
        %dma_start3A_806 = tpu.memref_slice %arg2[%add3A_776, %dma_start3A_805] : memref<16384x1024xf32, #tpu.memory_space<hbm>> -> memref<16x1024xf32, #tpu.memory_space<hbm>>
        tpu.enqueue_dma source(%dma_start3A_806 : memref<16x1024xf32, #tpu.memory_space<hbm>>) target(%dma_start3A_804 : memref<16x1024xf32, #tpu.memory_space<vmem>>) target_semaphore(%dma_start3A_800 : memref<!tpu.dma_semaphore, #tpu.memory_space<semaphore_mem>>)
      } else {
      }
    }
    %scan3A_147 = arith.constant 32 : i32
    %mul3A_148 = arith.constant 512 : i32
    %mul3A_149 = arith.muli %add3A, %mul3A_148 : i32
    "tpu.region"() ({
      %run_scoped3A = tpu.sem_alloc : memref<!tpu.dma_semaphore, #tpu.memory_space<semaphore_mem>>
      %dma_start3A_150 = tpu.memref_slice %arg3[%mul3A_149] : memref<16384xf32, #tpu.memory_space<hbm>> -> memref<512xf32, #tpu.memory_space<hbm>>
      %dma_start3A_151 = tpu.memref_slice %arg3[%mul3A_149] : memref<16384xf32, #tpu.memory_space<hbm>> -> memref<512xf32, #tpu.memory_space<hbm>>
      tpu.enqueue_dma source(%arg5 : memref<512xf32, #tpu.memory_space<vmem>>) target(%dma_start3A_151 : memref<512xf32, #tpu.memory_space<hbm>>) target_semaphore(%run_scoped3A : memref<!tpu.dma_semaphore, #tpu.memory_space<semaphore_mem>>)
      %dma_wait3A = tpu.memref_slice %arg3[%mul3A_149] : memref<16384xf32, #tpu.memory_space<hbm>> -> memref<512xf32, #tpu.memory_space<hbm>>
      %dma_wait3A_152 = tpu.memref_slice %arg3[%mul3A_149] : memref<16384xf32, #tpu.memory_space<hbm>> -> memref<512xf32, #tpu.memory_space<hbm>>
      tpu.wait_dma2 semaphore(%run_scoped3A : memref<!tpu.dma_semaphore, #tpu.memory_space<semaphore_mem>>) src(%arg5 : memref<512xf32, #tpu.memory_space<vmem>>) dst(%dma_wait3A_152 : memref<512xf32, #tpu.memory_space<hbm>>)
      tpu.yield
    }) : () -> ()
    return
  }
}

module attributes {stable_mosaic.version = 14 : i64} {
  func.func @_combine_kernel(%arg0: memref<128x1024xf32, #tpu.memory_space<vmem>>, %arg1: memref<1024x16xf32, #tpu.memory_space<vmem>>, %arg2: memref<1x16xf32, #tpu.memory_space<vmem>>, %arg3: memref<16x1024xf32, #tpu.memory_space<vmem>>, %arg4: memref<16x1024xf32, #tpu.memory_space<vmem>>, %arg5: memref<128x128xf32, #tpu.memory_space<vmem>>) attributes {dimension_semantics = [], scalar_prefetch = 0 : i64, scratch_operands = 0 : i64, tpu.core_type = #tpu.core_type<tc>} {
    %get3A = arith.constant 0 : index
    %get3A_0 = arith.constant 0 : index
    %get3A_1 = vector.load %arg0[%get3A, %get3A_0] : memref<128x1024xf32, #tpu.memory_space<vmem>>, vector<128x1024xf32>
    %get3A_2 = arith.constant 0 : index
    %get3A_3 = arith.constant 0 : index
    %get3A_4 = vector.load %arg1[%get3A_2, %get3A_3] : memref<1024x16xf32, #tpu.memory_space<vmem>>, vector<1024x16xf32>
    %dot_general3A = arith.constant dense<0.000000e+00> : vector<128x16xf32>
    %dot_general3A_5 = tpu.matmul %get3A_1, %get3A_4, %dot_general3A {dimension_numbers = #tpu.dot_dimension_numbers<[1], [0], [0], [1], [0, 0, 1, 1], [], []>, transpose_lhs_hint = false} : vector<128x1024xf32>, vector<1024x16xf32>, vector<128x16xf32> -> vector<128x16xf32>
    %get3A_6 = arith.constant 0 : index
    %get3A_7 = arith.constant 0 : index
    %get3A_8 = vector.load %arg2[%get3A_6, %get3A_7] : memref<1x16xf32, #tpu.memory_space<vmem>>, vector<1x16xf32>
    %add3A = vector.broadcast %get3A_8 : vector<1x16xf32> to vector<128x16xf32>
    %add3A_9 = arith.addf %dot_general3A_5, %add3A : vector<128x16xf32>
    %reduce_max3A = arith.constant dense<0xFF800000> : vector<128xf32>
    %reduce_max3A_10 = vector.multi_reduction <maximumf>, %add3A_9, %reduce_max3A [1] : vector<128x16xf32> to vector<128xf32>
    %broadcast_in_dim3A = vector.shape_cast %reduce_max3A_10 : vector<128xf32> to vector<128x1xf32>
    %sub3A = vector.broadcast %broadcast_in_dim3A : vector<128x1xf32> to vector<128x16xf32>
    %sub3A_11 = arith.subf %add3A_9, %sub3A : vector<128x16xf32>
    %exp3A = math.exp %sub3A_11 : vector<128x16xf32>
    %reduce_sum3A = arith.constant dense<0.000000e+00> : vector<128xf32>
    %reduce_sum3A_12 = vector.multi_reduction <add>, %exp3A, %reduce_sum3A [1] : vector<128x16xf32> to vector<128xf32>
    %div3A = arith.constant 1.000000e+00 : f32
    %div3A_13 = vector.broadcast %div3A : f32 to vector<128xf32>
    %div3A_14 = arith.divf %div3A_13, %reduce_sum3A_12 : vector<128xf32>
    %iota3A = tpu.iota {dimensions = array<i32: 1>} : vector<128x16xi32>
    %eq3A = vector.broadcast %broadcast_in_dim3A : vector<128x1xf32> to vector<128x16xf32>
    %eq3A_15 = arith.cmpf oeq, %add3A_9, %eq3A : vector<128x16xf32>
    %jit3A = arith.constant 16 : i32
    %broadcast_in_dim3A_16 = vector.broadcast %jit3A : i32 to vector<128x16xi32>
    %select_n3A = arith.select %eq3A_15, %iota3A, %broadcast_in_dim3A_16 : vector<128x16xi1>, vector<128x16xi32>
    %reduce_min3A = arith.constant dense<2147483647> : vector<128xi32>
    %reduce_min3A_17 = vector.multi_reduction <minsi>, %select_n3A, %reduce_min3A [1] : vector<128x16xi32> to vector<128xi32>
    %get3A_18 = arith.constant 0 : index
    %get3A_19 = arith.constant 0 : index
    %get3A_20 = vector.load %arg0[%get3A_18, %get3A_19] : memref<128x1024xf32, #tpu.memory_space<vmem>>, vector<128x1024xf32>
    %get3A_21 = arith.constant 0 : index
    %get3A_22 = arith.constant 0 : index
    %get3A_23 = vector.load %arg3[%get3A_21, %get3A_22] : memref<16x1024xf32, #tpu.memory_space<vmem>>, vector<16x1024xf32>
    %dot_general3A_24 = arith.constant dense<0.000000e+00> : vector<128x16xf32>
    %dot_general3A_25 = tpu.matmul %get3A_20, %get3A_23, %dot_general3A_24 {dimension_numbers = #tpu.dot_dimension_numbers<[1], [1], [0], [0], [0, 0, 1, 0], [], []>, transpose_lhs_hint = false} : vector<128x1024xf32>, vector<16x1024xf32>, vector<128x16xf32> -> vector<128x16xf32>
    %get3A_26 = arith.constant 0 : index
    %get3A_27 = arith.constant 0 : index
    %get3A_28 = vector.load %arg4[%get3A_26, %get3A_27] : memref<16x1024xf32, #tpu.memory_space<vmem>>, vector<16x1024xf32>
    %reduce_sum3A_29 = arith.constant dense<0.000000e+00> : vector<16xf32>
    %reduce_sum3A_30 = vector.multi_reduction <add>, %get3A_28, %reduce_sum3A_29 [1] : vector<16x1024xf32> to vector<16xf32>
    %broadcast_in_dim3A_31 = vector.shape_cast %div3A_14 : vector<128xf32> to vector<128x1xf32>
    %broadcast_in_dim3A_32 = vector.shape_cast %reduce_sum3A_30 : vector<16xf32> to vector<1x16xf32>
    %add3A_33 = vector.broadcast %broadcast_in_dim3A_32 : vector<1x16xf32> to vector<128x16xf32>
    %add3A_34 = arith.addf %dot_general3A_25, %add3A_33 : vector<128x16xf32>
    %mul3A = vector.broadcast %broadcast_in_dim3A_31 : vector<128x1xf32> to vector<128x16xf32>
    %mul3A_35 = arith.mulf %mul3A, %add3A_34 : vector<128x16xf32>
    %broadcast_in_dim3A_36 = vector.shape_cast %reduce_min3A_17 : vector<128xi32> to vector<128x1xi32>
    %eq3A_37 = vector.broadcast %broadcast_in_dim3A_36 : vector<128x1xi32> to vector<128x16xi32>
    %eq3A_38 = arith.cmpi eq, %iota3A, %eq3A_37 : vector<128x16xi32>
    %convert_element_type3A = arith.extui %eq3A_38 : vector<128x16xi1> to vector<128x16xi32>
    %convert_element_type3A_39 = arith.sitofp %convert_element_type3A : vector<128x16xi32> to vector<128x16xf32>
    %transpose3A = tpu.transpose %convert_element_type3A_39, [1, 0] : vector<128x16xf32> -> vector<16x128xf32>
    %dot_general3A_40 = arith.constant dense<0.000000e+00> : vector<128x128xf32>
    %dot_general3A_41 = tpu.matmul %mul3A_35, %transpose3A, %dot_general3A_40 {dimension_numbers = #tpu.dot_dimension_numbers<[1], [0], [0], [1], [0, 0, 1, 1], [], []>, transpose_lhs_hint = false} : vector<128x16xf32>, vector<16x128xf32>, vector<128x128xf32> -> vector<128x128xf32>
    %swap3A = arith.constant 0 : index
    %swap3A_42 = arith.constant 0 : index
    %swap3A_43 = vector.load %arg5[%swap3A, %swap3A_42] : memref<128x128xf32, #tpu.memory_space<vmem>>, vector<128x128xf32>
    tpu.vector_store %arg5[%swap3A, %swap3A_42], %dot_general3A_41 {strides = array<i32>} : memref<128x128xf32, #tpu.memory_space<vmem>>, vector<128x128xf32>,
    return
  }
}

</mosaic_0001>

<sc_bundles>
// kernel: kernel.4.cloned.1.call-start
scs
__scs_entry_jumppad:
0x0: {  	(pc) =	sbr.rel $0x88, $3  }
0x1: {  	(tag) =	ssettag $0x0;
	lr =	simm.s32 $0x1  }
0x2: {  	[smem:$0x3F9C] =	sst lr;
	_ =	strace $0xD0000000  }
0x3: {  	_ = 	snop  }
0x4: {  	_ = 	snop  }
0x5: {  	_ = 	snop  }
0x6: {  	_ = 	snop  }
0x7: {  	_ = 	snop  }
__scs_overlays_trampoline_lowered:
0x8: {  	[smem:$0x3FAB] =	sst s0  }
0x9: {  	[smem:$0x3FAC] =	sst s1  }
0xa: {  	[smem:$0x3FAD] =	sst s2  }
0xb: {  	[smem:$0x3FAE] =	sst s3  }
0xc: {  	[smem:$0x3FAF] =	sst s4  }
0xd: {  	[smem:$0x3FB0] =	sst s5  }
0xe: {  	[smem:$0x3FB1] =	sst s6  }
0xf: {  	[smem:$0x3FB2] =	sst s7  }
0x10: {  	[smem:$0x3FB3] =	sst s8  }
0x11: {  	[smem:$0x3FB4] =	sst s9;
	s0 =	simm.s32 @!p0 $0x0  }
0x12: {  	s1 =	sld [smem:$0x3F9A];
	s0 =	simm.s32 @p0 $0x1  }
0x13: {  	[smem:$0x3FB5] =	sst s0;
	s0 =	simm.s32 @!p1 $0x0  }
0x14: {  	s2 =	sld [smem:$0x3F99];
	s0 =	simm.s32 @p1 $0x1  }
0x15: {  	[smem:$0x3FB6] =	sst s0;
	s0 =	simm.s32 @!p2 $0x0  }
0x16: {  	s3 =	sld [smem:$0x3FDB];
	s0 =	simm.s32 @p2 $0x1  }
0x17: {  	s4 =	simm.s32 $0x1BF5;
	[smem:$0x3FB8] =	sst s0  }
0x18: {  	s0 =	sld [smem:$0x3F9B];
	_ =	swait.ge [sflag:s4], $0x0  }
0x19: {  	s7 =	sld [smem:$0x3F9C]  }
0x1a: {  	s8 =	sadd.s32 $0xFFFFE003, lr  }
0x1b: {  	s9 =	sadd.s32 $0xFFFFFEF7, lr;
	s5 =	simm.s32 $0xFFFFFFFF;
	p2 =	slt.u32 s8, $0xFFFFF086  }
0x1c: {  	p1 =	slt.u32 s9, $0xF7A;
	s5 =	simm.s32 @!p2 $0x0  }
0x1d: {  	s5 =	simm.s32 @p1 $0x1;
	p0 =	seq.s32 s7, s2  }
0x1e: {  	s7 =	smul.u32 @!p0 $0xF7A, s2;
	p2 =	seq.s32 @!p0 s5, $0x0  }
0x1f: {  	s9 =	smul.u32 $0xF7A, s1;
	s8 =	simm.s32 @!p0 $0x1BF5;
	p2 =	por !p2, p0  }
0x20: {  	[sflag:s8] =	ssyncset.s32 @!p0 $0xFFFFF086;
	s6 =	sadd.s32 @!p0 s3, s7;
	s7 =	simm.s32 @!p0 $0x108  }
0x21: {  	s3 =	sadd.s32 s3, s9;
	s6 =	sadd.s32 @!p0 $0x88, s6;
	s7 =	simm.s32 @p2 $0x1082  }
0x22: {  	[simem:s7], [sflag:s8] =	dma.local @!p0 [hbm:s6], $0xF7A  }
0x23: {  	s9 =	sor.u32 $0xD0000000, s2;
	s6 =	simm.s32 $0x108;
	_ =	swait.ge @!p0 [sflag:s8], $0x0  }
0x24: {  	s3 =	sadd.s32 $0x88, s3;
	s6 =	simm.s32 @!p1 $0x1082;
	[sflag:s4] =	ssyncset.s32 $0xFFFFF086  }
0x25: {  	[simem:s6], [sflag:s4] =	dma.local [hbm:s3], $0xF7A  }
0x26: {  	[smem:$0x3F9C] =	sst s1;
	(tag) =	ssettag s2;
	_ =	strace s9  }
0x27: {  	s1 =	sld [smem:$0x3FAC]  }
0x28: {  	s2 =	sld [smem:$0x3FAD]  }
0x29: {  	s4 =	sld [smem:$0x3FAF]  }
0x2a: {  	p0 =	seq.s32 s5, $0x0;
	s5 =	sld [smem:$0x3FB0]  }
0x2b: {  	s6 =	sld [smem:$0x3FB1]  }
0x2c: {  	s7 =	sld [smem:$0x3FB2]  }
0x2d: {  	s3 =	simm.s32 $0x108;
	s8 =	sld [smem:$0x3FB3]  }
0x2e: {  	s3 =	simm.s32 @!p0 $0x1082;
	s9 =	sld [smem:$0x3FB4]  }
0x2f: {  	lr =	sadd.s32 s0, s3;
	s0 =	sld [smem:$0x3FAB]  }
0x30: {  	s3 =	sld [smem:$0x3FAE]  }
0x31: {  	[smem:$0x3FB7] =	sst s10  }
0x32: {  	s10 =	sld [smem:$0x3FB5];
	_ =	sdelay $0x3  }
0x33: {  	p0 =	seq.s32 s10, $0x1;
	s10 =	sld [smem:$0x3FB7];
	_ =	sdelay $0x3  }
0x34: {  	[smem:$0x3FB7] =	sst s10  }
0x35: {  	s10 =	sld [smem:$0x3FB6];
	_ =	sdelay $0x3  }
0x36: {  	p1 =	seq.s32 s10, $0x1;
	s10 =	sld [smem:$0x3FB7];
	_ =	sdelay $0x3  }
0x37: {  	[smem:$0x3FB7] =	sst s10  }
0x38: {  	s10 =	sld [smem:$0x3FB8]  }
0x39: {  	_ = 	snop;
	(pc) =	sbr.ind lr, $3  }
0x3a: {  	_ = 	snop  }
0x3b: {  	_ = 	snop  }
0x3c: {  	p2 =	seq.s32 s10, $0x1;
	s10 =	sld [smem:$0x3FB7]  }
0x3d: {  	_ =	shalt  }
0x3e: {  	_ =	shalt  }
0x3f: {  	_ =	shalt  }
0x40: {  	_ =	shalt  }
0x41: {  	_ =	shalt  }
0x42: {  	_ =	shalt  }
0x43: {  	_ =	shalt  }
0x44: {  	_ =	shalt  }
0x45: {  	_ =	shalt  }
0x46: {  	_ =	shalt  }
0x47: {  	_ =	shalt  }
0x48: {  	_ =	shalt  }
0x49: {  	_ =	shalt  }
0x4a: {  	_ =	shalt  }
0x4b: {  	_ =	shalt  }
0x4c: {  	_ =	shalt  }
0x4d: {  	_ =	shalt  }
0x4e: {  	_ =	shalt  }
0x4f: {  	_ =	shalt  }
0x50: {  	_ =	shalt  }
0x51: {  	_ =	shalt  }
0x52: {  	_ =	shalt  }
0x53: {  	_ =	shalt  }
0x54: {  	_ =	shalt  }
0x55: {  	_ =	shalt  }
0x56: {  	_ =	shalt  }
0x57: {  	_ =	shalt  }
0x58: {  	_ =	shalt  }
0x59: {  	_ =	shalt  }
0x5a: {  	_ =	shalt  }
0x5b: {  	_ =	shalt  }
0x5c: {  	_ =	shalt  }
0x5d: {  	_ =	shalt  }
0x5e: {  	_ =	shalt  }
0x5f: {  	_ =	shalt  }
0x60: {  	_ =	shalt  }
0x61: {  	_ =	shalt  }
0x62: {  	_ =	shalt  }
0x63: {  	_ =	shalt  }
0x64: {  	_ =	shalt  }
0x65: {  	_ =	shalt  }
0x66: {  	_ =	shalt  }
0x67: {  	_ =	shalt  }
0x68: {  	_ =	shalt  }
0x69: {  	_ =	shalt  }
0x6a: {  	_ =	shalt  }
0x6b: {  	_ =	shalt  }
0x6c: {  	_ =	shalt  }
0x6d: {  	_ =	shalt  }
0x6e: {  	_ =	shalt  }
0x6f: {  	_ =	shalt  }
0x70: {  	_ =	shalt  }
0x71: {  	_ =	shalt  }
0x72: {  	_ =	shalt  }
0x73: {  	_ =	shalt  }
0x74: {  	_ =	shalt  }
0x75: {  	_ =	shalt  }
0x76: {  	_ =	shalt  }
0x77: {  	_ =	shalt  }
0x78: {  	_ =	shalt  }
0x79: {  	_ =	shalt  }
0x7a: {  	_ =	shalt  }
0x7b: {  	_ =	shalt  }
0x7c: {  	_ =	shalt  }
0x7d: {  	_ =	shalt  }
0x7e: {  	_ =	shalt  }
0x7f: {  	_ =	shalt  }
0x80: {  	_ =	shalt  }
0x81: {  	_ =	shalt  }
0x82: {  	_ =	shalt  }
0x83: {  	_ =	shalt  }
0x84: {  	_ =	shalt  }
0x85: {  	_ =	shalt  }
0x86: {  	_ =	shalt  }
0x87: {  	_ =	shalt  }
.Lfunc_end0:
.L_simem_size_0:
called_computation_lowered:
.L_overlay_start_0:
0x88: {  	s2 =	sld [smem:$0x3FD9]  }
0x89: {  	s3 =	sld [smem:$0x3FFE];
	_ =	sdelay $0x1  }
0x8a: {  	s1 =	srdreg.scid  }
0x8b: {  	s0 =	sand.u32 $0x1, s1  }
0x8c: {  	s18 =	sshll.u32 s0, $0xA;
	s2 =	sadd.s32 s3, s2  }
0x8d: {  	s2 =	sadd.s32 s2, s18  }
0x8e: {  	[smem:$0x3FC3] =	sst s2  }
0x8f: {  	_ = 	snop  }
0x90: {  	s2 =	sld [smem:$0x3FC6]  }
0x91: {  	s19 =	sld [smem:$0x3FD0];
	(tm) =	ssettm $0x1  }
0x92: {  	s4 =	sld [smem:$0x3FFB];
	_ =	sdelay $0x3  }
0x93: {  	_ =	strace s4  }
0x94: {  	s4 =	sld [smem:$0x3FFC];
	_ =	sdelay $0x3  }
0x95: {  	_ =	strace s4  }
0x96: {  	s4 =	sld [smem:$0x3FFD];
	_ =	sdelay $0x3  }
0x97: {  	_ =	strace s4  }
0x98: {  	_ =	strace $0x8FFFFFFF  }
0x99: {  	s20 =	sld [smem:$0x3FDB];
	_ =	sdelay $0x1  }
0x9a: {  	s5 =	simm.s32 $_scs_section_size  }
0x9b: {  	s6 =	simm.s32 $_size__tile_overlayer_lowered;
	s7 =	simm.s32 $_tile_overlayer_lowered  }
0x9c: {  	s23 =	simm.s32 $0x1BFF;
	s22 =	sshll.u32 s7, $0x1;
	s4 =	sadd.s32 s5, s20  }
0x9d: {  	s8 =	simm.s32 $0x0;
	s21 =	sshll.u32 s6, $0x1;
	s6 =	sadd.s32 s22, s4  }
0x9e: {  	[timem:s8], [sflag:s23] =	dma.local [hbm:s6], s21  }
0x9f: {  	_ =	swait.ge [sflag:s23], s21  }
0xa0: {  	s5 =	ssub.s32 $0x0, s21;
	[sflag:s23] =	ssyncset.done $0x0  }
0xa1: {  	[sflag:s23] =	ssyncadd.s32 s5;
	_ =	sdelay $0x1  }
0xa2: {  	s24 =	simm.s32 $0x1B8B  }
0xa3: {  	_ =	swait.ge [sflag:s24], $0x1  }
0xa4: {  	[sflag:s24] =	ssyncset.done $0x0  }
0xa5: {  	s25 =	simm.s32 $0x1B8E;
	[sflag:s24] =	ssyncadd.s32 $0xFFFFFFFF  }
0xa6: {  	s26 =	simm.s32 $execute0_lowered;
	[smem:$0x3FD2] =	sst s25  }
0xa7: {  	s5 =	sshll.u32 s26, $0x1;
	_ =	strace $0x80000046;
	[dreg:$0x1] =	wrdreg $0xFFFFFFFF  }
0xa8: {  	s28 =	simm.s32 $_size_execute0_lowered;
	s4 =	sadd.s32 s4, s5;
	[dreg:$0x0] =	wrdreg $0x0  }
0xa9: {  	s5 =	sshll.u32 s28, $0x1;
	[dreg:$0x2] =	wrdreg s4  }
0xaa: {  	[dreg:$0x3] =	wrdreg s5  }
0xab: {  	[dreg:$0x4] =	wrdreg $0xC0  }
0xac: {  	_ =	task [dreg:s8], $0x5FFFF  }
0xad: {  	[dreg:$0x1] =	wrdreg $0xFFFFFFFF  }
0xae: {  	[dreg:$0x0] =	wrdreg $0x60  }
0xaf: {  	[dreg:$0x2] =	wrdreg s2  }
0xb0: {  	[dreg:$0x3] =	wrdreg s19  }
0xb1: {  	[dreg:$0x4] =	wrdreg $0x9  }
0xb2: {  	_ =	task.clear_ibuf [dreg:s8], $0x5FFFF;
	_ =	strace $0x90000046  }
0xb3: {  	s29 =	simm.s32 $0x9;
	_ =	strace $0x80000048  }
0xb4: {  	_ =	swait.ge [sflag:s29], $0x1  }
0xb5: {  	[sflag:s29] =	ssyncadd.s32 $0xFFFFFFFF  }
0xb6: {  	_ =	strace $0x90000048  }
0xb7: {  	_ =	sfence  }
0xb8: {  	s30 =	sld [smem:$0x0];
	_ =	sdelay $0x2  }
0xb9: {  	s31 =	sshll.u32 s1, $0xD;
	s1 =	sshrl.u32 s1, $0x2  }
0xba: {  	s3 =	sand.u32 $0x4000, s31;
	s1 =	sadd.s32 s1, s30  }
0xbb: {  	s0 =	sor.u32 s3, s0;
	s1 =	sshll.u32 s1, $0x11  }
0xbc: {  	s0 =	sor.u32 s1, s0  }
0xbd: {  	s0 =	sadd.s32 $0x8F2B, s0  }
0xbe: {  	[sflag:s0] =	ssyncadd.remote.s32 $0x1  }
0xbf: {  	_ =	sfence.sel $0xFFFF  }
0xc0: {  	[dreg:$0x0] =	wrdreg $0xFFFFFFFF;
	(pc) =	sbr.abs _section_cstart, $3  }
0xc1: {  	[dreg:$0x1] =	wrdreg $0xFFFFFFFF  }
0xc2: {  	_ =	task.clear_ibuf [dreg:s8], $0x2FFFF;
	_ =	strace $0x9FFFFFFF  }
0xc3: {  	(tm) =	ssettm $0x7FFFFFFF  }
tec
execute0_lowered:
.L_overlay_start_1:
0x0: {  	(tag) =	ssettag $0x1  }
0x1: {  	v0 =	vimm.s32 $0x76543210;
	v1 =	vimm.s32 $0xFEDCBA98  }
0x2: {  	v2 =	vimm.s32 $0xBA98FEDC;
	v3 =	vimm.s32 $0x32107654;
	v4 =	vimm.s32 $0xDCFE98BA  }
0x3: {  	v5 =	vimm.s32 $0x54761032;
	vm0 =	vcmask $0x2F20;
	vm1 =	vcmask $0xF00  }
0x4: {  	vm2 =	vcmask $0x700;
	v55 =	vimm.s32 $0xEFCDAB89;
	vm3 =	vcmask $0xB08  }
0x5: {  	vm4 =	vcmask $0x300;
	v56 =	vimm.s32 $0x67452301;
	v57 =	vimm.s32 $0xF7B3D591  }
0x6: {  	v6 =	vimm.s32 $0xE6A2C480;
	v0 =	vunpack.c.l.s4.s8 v0;
	v1 =	vunpack.c.l.s4.s8 v1  }
0x7: {  	v2 =	vunpack.c.l.s4.s8 v2;
	v3 =	vunpack.c.l.s4.s8 v3;
	v4 =	vunpack.c.l.s4.s8 v4  }
0x8: {  	v5 =	vunpack.c.l.s4.s8 v5;
	vm0 =	vmor vm1, vm0;
	vm1 =	vcmask $0x1710  }
0x9: {  	vm3 =	vmor vm4, vm3;
	vm4 =	vcmask $0x1310;
	v6 =	vunpack.c.l.s4.s8 v6  }
0xa: {  	vm1 =	vmor vm2, vm1;
	vm2 =	vcmask $0x2720;
	vm3 =	vmor vm3, vm4  }
0xb: {  	s1 =	srdreg.scid;
	vm4 =	vcmask $0x1B18;
	v0 =	vunpack.c.0.s8.s32 v0;
	v1 =	vunpack.c.0.s8.s32 v1  }
0xc: {  	s3 =	rddreg [dreg:$0x0];
	s0 =	stileid.u32;
	v2 =	vunpack.c.0.s8.s32 v2;
	v3 =	vunpack.c.0.s8.s32 v3;
	v53 =	vunpack.c.0.s8.s32 v4  }
0xd: {  	s9 =	rddreg [dreg:$0x1];
	s2 =	simm.s32 $0x0;
	s12 =	simm.s32 $0x8000;
	v54 =	vunpack.c.0.s8.s32 v5;
	vm1 =	vmor vm1, vm2;
	vm2 =	vcmask $0x3730  }
0xe: {  	s13 =	simm.s32 $0xC000;
	s14 =	simm.s32 $0x10000;
	s15 =	simm.s32 $0x14000;
	v4 =	vunpack.c.l.s4.s8 v56;
	vm3 =	vmor vm3, vm4;
	vm4 =	vcmask $0x2320  }
0xf: {  	s16 =	simm.s32 $0x18000;
	s17 =	simm.s32 $0x7;
	s18 =	simm.s32 $0x0;
	v5 =	vunpack.c.l.s4.s8 v57;
	v52 =	vcombine.low v3, v2;
	v3 =	vunpack.c.l.s4.s8 v55  }
0x10: {  	s4 =	sand.u32 $0x1, s1;
	s5 =	sshll.u32 s0, $0xA;
	s1 =	rddreg [dreg:$0x2];
	v59 =	vunpack.c.0.s8.s32 v6;
	vm3 =	vmor vm3, vm4;
	v2 =	vcombine.low v54, v53  }
0x11: {  	[smem:$0x7FF] =	sst s2;
	s6 =	sshll.u32 s4, $0x9;
	s4 =	ssub.s32 $0x2, s4;
	v4 =	vunpack.c.0.s8.s32 v4;
	v58 =	vunpack.c.0.s8.s32 v5;
	v3 =	vunpack.c.0.s8.s32 v3  }
0x12: {  	_ =	strace $0x80000047;
	s7 =	sor.u32 s6, s5;
	s31 =	sshrl.u32 s4, $0x1;
	vm4 =	vcmask $0x2B28;
	vm1 =	vmor vm1, vm2;
	v60 =	vand.u32 $0xF, v52  }
0x13: {  	s5 =	sshll.u32 s7, $0x7;
	s10 =	ssub.s32 s4, s31;
	s11 =	sshrl.u32 s7, $0x3;
	v61 =	vand.u32 $0xF, v2;
	v63 =	vcombine.low v59, v58;
	[tilespmem:$0x1FFC0] =	vst v60;
	v3 =	vcombine.low v4, v3  }
0x14: {  	v1 =	vand.u32 $0xF, v1;
	s3 =	sadd.s32 s3, s5;
	vm3 =	vmor vm3, vm4;
	vm4 =	vcmask $0x3330;
	s9 =	sadd.s32 s9, s11;
	s10 =	smax.u32 s10, $0x1;
	[tilespmem:$0x1FFD0] =	vst v61  }
0x15: {  	s11 =	simm.s32 $0x4000;
	s4 =	sadd.s32 $0x800, s3;
	s5 =	sadd.s32 $0x1000, s3;
	vm2 =	vmor vm3, vm4;
	vm3 =	vcmask $0x3B38;
	[tilespmem:$0x1FFF0] =	vst v63;
	v62 =	vand.u32 $0xF, v3  }
0x16: {  	v17 =	vcombine.low v1, v0;
	s6 =	sadd.s32 $0x1800, s3;
	s7 =	sadd.s32 $0x2000, s3;
	s8 =	sadd.s32 $0x2800, s3;
	vm2 =	vmor vm2, vm3;
	vm3 =	vmmov $0xff;
	[tilespmem:$0x1FFE0] =	vst v62  }
.LBB2_1:
0x17: {  	[tilespmem:s2], [sflag:$0x1] =	stream.linear.gather [hbm4b:s3+s2], $0x4000, $0x38;
	[tilespmem:$0x18300] =	vst v63  }
0x18: {  	_ = 	snop  }
0x19: {  	[tilespmem:s11], [sflag:$0x2] =	stream.linear.gather [hbm4b:s4+s2], $0x4000, $0x38;
	[tilespmem:$0x18300] =	vst v63  }
0x1a: {  	_ = 	snop  }
0x1b: {  	[tilespmem:s12], [sflag:$0x3] =	stream.linear.gather [hbm4b:s5+s2], $0x4000, $0x38;
	[tilespmem:$0x18300] =	vst v63  }
0x1c: {  	_ = 	snop  }
0x1d: {  	[tilespmem:s13], [sflag:$0x4] =	stream.linear.gather [hbm4b:s6+s2], $0x4000, $0x38;
	[tilespmem:$0x18300] =	vst v63  }
0x1e: {  	_ = 	snop  }
0x1f: {  	[tilespmem:s14], [sflag:$0x5] =	stream.linear.gather [hbm4b:s7+s2], $0x4000, $0x38;
	[tilespmem:$0x18300] =	vst v63  }
0x20: {  	s19 =	simm.s32 $0x0  }
0x21: {  	[tilespmem:s15], [sflag:$0x6] =	stream.linear.gather [hbm4b:s8+s2], $0x4000, $0x38;
	[tilespmem:$0x18300] =	vst v63  }
.LBB2_2:
0x22: {  	s20 =	smul.u32 $0xAB, s19;
	_ =	sdelay $0x1  }
0x23: {  	s20 =	sshrl.u32 s20, $0xA  }
0x24: {  	s20 =	sand.u32 $0x3F, s20  }
0x25: {  	s20 =	smul.u32 $0x6, s20;
	_ =	sdelay $0x1  }
0x26: {  	s20 =	ssub.s32 s19, s20  }
0x27: {  	s20 =	sand.u32 $0xFF, s20  }
0x28: {  	s22 =	simm.s32 $0x0;
	s21 =	simm.s32 $0x80;
	s23 =	sadd.s32 $0x1, s20  }
0x29: {  	s22 =	sand.u32 $0x2000, s22;
	s20 =	sshll.u32 s20, $0xE;
	_ =	swait.ge [sflag:s23], $0x4000  }
0x2a: {  	s24 =	sand.u32 $0x380, s21;
	s22 =	sadd.s32 s22, s20;
	[sflag:s23] =	ssyncset.done $0x0  }
0x2b: {  	s30 =	sadd.s32 s24, s22;
	[sflag:s23] =	ssyncadd.s32 $0xFFFFC000  }
0x2c: {  	v0 =	vld [tilespmem:s30+$0x1C40];
	_ =	sdelay $0x4  }
0x2d: {  	[tilespmem:$0x1FFA0] =	vst v0  }
0x2e: {  	v0 =	vld [tilespmem:s30+$0x1C50];
	_ =	sdelay $0x4  }
0x2f: {  	[tilespmem:$0x1FFB0] =	vst v0  }
0x30: {  	v7 =	vld [tilespmem:s30+$0x1C00]  }
0x31: {  	v8 =	vld [tilespmem:s30+$0x1C10]  }
0x32: {  	v9 =	vld [tilespmem:s30+$0x1840]  }
0x33: {  	v10 =	vld [tilespmem:s30+$0x1850]  }
0x34: {  	v11 =	vld [tilespmem:s30+$0x1800]  }
0x35: {  	v12 =	vld [tilespmem:s30+$0x1810]  }
0x36: {  	v13 =	vld [tilespmem:s30+$0x1440]  }
0x37: {  	v14 =	vld [tilespmem:s30+$0x1450]  }
0x38: {  	v15 =	vld [tilespmem:s30+$0x1400]  }
0x39: {  	v16 =	vld [tilespmem:s30+$0x1410]  }
0x3a: {  	v6 =	vld [tilespmem:s30+$0x1040]  }
0x3b: {  	v18 =	vld [tilespmem:s30+$0x1050]  }
0x3c: {  	v19 =	vld [tilespmem:s30+$0x1000]  }
0x3d: {  	v20 =	vld [tilespmem:s30+$0x1010]  }
0x3e: {  	v21 =	vld [tilespmem:s30+$0xC40]  }
0x3f: {  	v22 =	vld [tilespmem:s30+$0xC50]  }
0x40: {  	v23 =	vld [tilespmem:s30+$0xC00]  }
0x41: {  	v24 =	vld [tilespmem:s30+$0xC10]  }
0x42: {  	v25 =	vld [tilespmem:s30+$0x840]  }
0x43: {  	v26 =	vld [tilespmem:s30+$0x850]  }
0x44: {  	v27 =	vld [tilespmem:s30+$0x800]  }
0x45: {  	v28 =	vld [tilespmem:s30+$0x810]  }
0x46: {  	v29 =	vld [tilespmem:s30+$0x440]  }
0x47: {  	v30 =	vld [tilespmem:s30+$0x450]  }
0x48: {  	v31 =	vld [tilespmem:s30+$0x400]  }
0x49: {  	v32 =	vld [tilespmem:s30+$0x410]  }
0x4a: {  	v33 =	vld [tilespmem:s30+$0x40]  }
0x4b: {  	v34 =	vld [tilespmem:s30+$0x50]  }
0x4c: {  	v35 =	vld [tilespmem:s30+$0x0]  }
0x4d: {  	v36 =	vld [tilespmem:s30+$0x10]  }
0x4e: {  	v37 =	vld [tilespmem:s30+$0x20]  }
0x4f: {  	v38 =	vld [tilespmem:s30+$0x30]  }
0x50: {  	v39 =	vld [tilespmem:s30+$0x60]  }
0x51: {  	v40 =	vld [tilespmem:s30+$0x70]  }
0x52: {  	v41 =	vld [tilespmem:s30+$0x420]  }
0x53: {  	v42 =	vld [tilespmem:s30+$0x430]  }
0x54: {  	v43 =	vld [tilespmem:s30+$0x460]  }
0x55: {  	v44 =	vld [tilespmem:s30+$0x470]  }
0x56: {  	v45 =	vld [tilespmem:s30+$0x820]  }
0x57: {  	v46 =	vld [tilespmem:s30+$0x830]  }
0x58: {  	v47 =	vld [tilespmem:s30+$0x860]  }
0x59: {  	v48 =	vld [tilespmem:s30+$0x870]  }
0x5a: {  	v49 =	vld [tilespmem:s30+$0xC20]  }
0x5b: {  	v50 =	vld [tilespmem:s30+$0xC30]  }
0x5c: {  	v51 =	vld [tilespmem:s30+$0xC60]  }
0x5d: {  	v52 =	vld [tilespmem:s30+$0xC70]  }
0x5e: {  	v53 =	vld [tilespmem:s30+$0x1020]  }
0x5f: {  	v54 =	vld [tilespmem:s30+$0x1030]  }
0x60: {  	v55 =	vld [tilespmem:s30+$0x1060]  }
0x61: {  	v56 =	vld [tilespmem:s30+$0x1070]  }
0x62: {  	v57 =	vld [tilespmem:s30+$0x1420]  }
0x63: {  	v58 =	vld [tilespmem:s30+$0x1430]  }
0x64: {  	v59 =	vld [tilespmem:s30+$0x1460]  }
0x65: {  	v60 =	vld [tilespmem:s30+$0x1470]  }
0x66: {  	v61 =	vld [tilespmem:s30+$0x1820]  }
0x67: {  	v62 =	vld [tilespmem:s30+$0x1830]  }
0x68: {  	v63 =	vld [tilespmem:s30+$0x1860]  }
0x69: {  	v4 =	vld [tilespmem:s30+$0x1870];
	v35 =	vadd.f32 $0.0e+00, v35;
	v36 =	vadd.f32 $0.0e+00, v36  }
0x6a: {  	v3 =	vld [tilespmem:s30+$0x1C20]  }
0x6b: {  	s31 =	simm.s32 $0x0;
	v2 =	vld [tilespmem:s30+$0x1C30];
	v33 =	vadd.f32 v33, v35;
	v34 =	vadd.f32 v34, v36  }
0x6c: {  	s24 =	sand.u32 $0x300, s31;
	v5 =	vld [tilespmem:s30+$0x1C60]  }
0x6d: {  	s22 =	sadd.s32 s24, s22;
	v1 =	vld [tilespmem:s30+$0x1C70];
	v31 =	vadd.f32 v31, v33;
	v32 =	vadd.f32 v32, v34  }
0x6e: {  	v0 =	vld [tilespmem:s22+$0x0];
	v37 =	vadd.f32 $0.0e+00, v37;
	v38 =	vadd.f32 $0.0e+00, v38  }
0x6f: {  	v35 =	vld [tilespmem:s22+$0x10];
	v29 =	vadd.f32 v29, v31;
	v30 =	vadd.f32 v30, v32  }
0x70: {  	v36 =	vadd.f32 v39, v37;
	v40 =	vadd.f32 v40, v38;
	v38 =	vld [tilespmem:s22+$0x20]  }
0x71: {  	v37 =	vld [tilespmem:s22+$0x40];
	v27 =	vadd.f32 v27, v29;
	v28 =	vadd.f32 v28, v30  }
0x72: {  	v33 =	vld [tilespmem:s22+$0x30];
	v41 =	vadd.f32 v41, v36  }
0x73: {  	v36 =	vld [tilespmem:s22+$0x60];
	v25 =	vadd.f32 v25, v27;
	v26 =	vadd.f32 v26, v28  }
0x74: {  	v42 =	vadd.f32 v42, v40;
	v34 =	vld [tilespmem:s22+$0x400]  }
0x75: {  	v31 =	vld [tilespmem:s22+$0x50];
	v23 =	vadd.f32 v23, v25;
	v24 =	vadd.f32 v24, v26  }
0x76: {  	v43 =	vadd.f32 v43, v41;
	v44 =	vadd.f32 v44, v42;
	v32 =	vld [tilespmem:s22+$0x420]  }
0x77: {  	v41 =	vld [tilespmem:s22+$0x440];
	v21 =	vadd.f32 v21, v23;
	v22 =	vadd.f32 v22, v24  }
0x78: {  	v42 =	vld [tilespmem:s22+$0x450];
	v45 =	vadd.f32 v45, v43;
	v46 =	vadd.f32 v46, v44  }
0x79: {  	v29 =	vld [tilespmem:s22+$0x70];
	v19 =	vadd.f32 v19, v21;
	v20 =	vadd.f32 v20, v22  }
0x7a: {  	v27 =	vld [tilespmem:s22+$0x410];
	v47 =	vadd.f32 v47, v45;
	v48 =	vadd.f32 v48, v46  }
0x7b: {  	v45 =	vld [tilespmem:s22+$0x460];
	v6 =	vadd.f32 v6, v19;
	v18 =	vadd.f32 v18, v20  }
0x7c: {  	v46 =	vld [tilespmem:s22+$0x470];
	v39 =	vadd.f32 v49, v47;
	v40 =	vadd.f32 v50, v48  }
0x7d: {  	v25 =	vld [tilespmem:s22+$0x430];
	v6 =	vadd.f32 v15, v6;
	v15 =	vadd.f32 v16, v18  }
0x7e: {  	v49 =	vld [tilespmem:s22+$0x800];
	v43 =	vadd.f32 v51, v39;
	v44 =	vadd.f32 v52, v40  }
0x7f: {  	v52 =	vld [tilespmem:s22+$0x820];
	v6 =	vadd.f32 v13, v6;
	v13 =	vadd.f32 v14, v15  }
0x80: {  	v47 =	vadd.f32 v53, v43;
	v48 =	vadd.f32 v54, v44;
	v54 =	vld [tilespmem:s22+$0x840]  }
0x81: {  	v19 =	vld [tilespmem:s22+$0x810];
	v6 =	vadd.f32 v11, v6;
	v11 =	vadd.f32 v12, v13  }
0x82: {  	v50 =	vadd.f32 v55, v47;
	v51 =	vadd.f32 v56, v48;
	v55 =	vld [tilespmem:s22+$0x860]  }
0x83: {  	v56 =	vld [tilespmem:s22+$0xC60];
	v6 =	vadd.f32 v9, v6;
	v9 =	vadd.f32 v10, v11  }
0x84: {  	v0 =	vadd.f32 $0.0e+00, v0;
	v16 =	vld [tilespmem:s22+$0x830]  }
0x85: {  	v6 =	vadd.f32 v7, v6;
	v7 =	vadd.f32 v8, v9;
	v9 =	vld [tilespmem:$0x1FFA0]  }
0x86: {  	v0 =	vadd.f32 v37, v0;
	v18 =	vadd.f32 v57, v50;
	v57 =	vld [tilespmem:s22+$0x1030]  }
0x87: {  	v33 =	vadd.f32 $0.0e+00, v33;
	v53 =	vadd.f32 v58, v51;
	v58 =	vld [tilespmem:s22+$0x1040]  }
0x88: {  	v14 =	vld [tilespmem:s22+$0x850];
	v15 =	vadd.f32 v59, v18  }
0x89: {  	v0 =	vadd.f32 v34, v0;
	v29 =	vadd.f32 v29, v33;
	v59 =	vld [tilespmem:s22+$0x1050]  }
0x8a: {  	v13 =	vadd.f32 v61, v15;
	v6 =	vadd.f32 v9, v6;
	v9 =	vld [tilespmem:$0x1FFB0]  }
0x8b: {  	v0 =	vadd.f32 v41, v0;
	v18 =	vadd.f32 v60, v53;
	v60 =	vld [tilespmem:s22+$0x1060]  }
0x8c: {  	v25 =	vadd.f32 v25, v29;
	v12 =	vld [tilespmem:s22+$0x870];
	v11 =	vadd.f32 v63, v13  }
0x8d: {  	v0 =	vadd.f32 v49, v0;
	v15 =	vadd.f32 v62, v18;
	v18 =	vld [tilespmem:s22+$0xC00]  }
0x8e: {  	v61 =	vld [tilespmem:s22+$0x1070];
	v3 =	vadd.f32 v3, v11;
	v11 =	vadd.f32 $0.0e+00, v38  }
0x8f: {  	v21 =	vadd.f32 v46, v25;
	v62 =	vld [tilespmem:s22+$0x1400];
	v7 =	vadd.f32 v9, v7  }
0x90: {  	v10 =	vld [tilespmem:s22+$0xC10];
	v4 =	vadd.f32 v4, v15;
	v11 =	vadd.f32 v36, v11  }
0x91: {  	v13 =	vld [tilespmem:s22+$0xC20];
	v6 =	vadd.f32 v7, v6;
	v7 =	vadd.f32 $0.0e+00, v35  }
0x92: {  	v16 =	vadd.f32 v16, v21;
	v15 =	vld [tilespmem:s22+$0x1010];
	v11 =	vadd.f32 v32, v11  }
0x93: {  	v63 =	vld [tilespmem:s22+$0x1420];
	v2 =	vadd.f32 v2, v4;
	v7 =	vadd.f32 v31, v7  }
0x94: {  	v8 =	vld [tilespmem:s22+$0xC30];
	v3 =	vadd.f32 v5, v3;
	v11 =	vadd.f32 v45, v11  }
0x95: {  	v4 =	vld [tilespmem:s22+$0xC40];
	v1 =	vadd.f32 v1, v2;
	v7 =	vadd.f32 v27, v7  }
0x96: {  	v12 =	vadd.f32 v12, v16;
	v16 =	vld [tilespmem:s22+$0x1440];
	v11 =	vadd.f32 v52, v11  }
0x97: {  	v5 =	vld [tilespmem:s22+$0xC70];
	v1 =	vadd.f32 v1, v3;
	v7 =	vadd.f32 v42, v7  }
0x98: {  	v0 =	vadd.f32 v54, v0;
	v3 =	vld [tilespmem:s22+$0x1000];
	v11 =	vadd.f32 v55, v11  }
0x99: {  	v1 =	vadd.f32 v1, v6;
	v6 =	vld [tilespmem:s22+$0x1020];
	v7 =	vadd.f32 v19, v7  }
0x9a: {  	v0 =	vadd.f32 v18, v0;
	v9 =	vld [tilespmem:s22+$0xC50];
	v11 =	vadd.f32 v13, v11  }
0x9b: {  	v8 =	vadd.f32 v8, v12;
	v12 =	vld [tilespmem:s22+$0x1460];
	v7 =	vadd.f32 v14, v7  }
0x9c: {  	v13 =	vld [tilespmem:s22+$0x1840];
	v2 =	vadd.f32 v56, v11  }
0x9d: {  	v0 =	vadd.f32 v4, v0;
	v11 =	vld [tilespmem:s22+$0x1830];
	v7 =	vadd.f32 v10, v7  }
0x9e: {  	v5 =	vadd.f32 v5, v8;
	v2 =	vadd.f32 v6, v2;
	v6 =	vld [tilespmem:s22+$0x1820]  }
0x9f: {  	v14 =	vld [tilespmem:s22+$0x1430];
	v4 =	vadd.f32 v9, v7  }
0xa0: {  	v0 =	vadd.f32 v3, v0;
	v5 =	vadd.f32 v57, v5;
	v19 =	vld [tilespmem:s22+$0x1410]  }
0xa1: {  	v10 =	vld [tilespmem:s22+$0x1450];
	v3 =	vadd.f32 v15, v4  }
0xa2: {  	v0 =	vadd.f32 v58, v0;
	v5 =	vadd.f32 v61, v5;
	v7 =	vld [tilespmem:s22+$0x1470]  }
0xa3: {  	v2 =	vadd.f32 v60, v2;
	v9 =	vld [tilespmem:s22+$0x1800];
	v3 =	vadd.f32 v59, v3  }
0xa4: {  	v0 =	vadd.f32 v62, v0;
	v5 =	vadd.f32 v14, v5;
	v14 =	vld [tilespmem:s22+$0x1860]  }
0xa5: {  	v2 =	vadd.f32 v63, v2;
	v4 =	vld [tilespmem:s22+$0x1810];
	v3 =	vadd.f32 v19, v3  }
0xa6: {  	v0 =	vadd.f32 v16, v0;
	v15 =	vld [tilespmem:s22+$0x1850]  }
0xa7: {  	v2 =	vadd.f32 v12, v2;
	v3 =	vadd.f32 v10, v3;
	v10 =	vld [tilespmem:s22+$0x1870]  }
0xa8: {  	v8 =	vld [tilespmem:s22+$0x1C00];
	v7 =	vadd.f32 v7, v5  }
0xa9: {  	v2 =	vadd.f32 v6, v2;
	v0 =	vadd.f32 v9, v0;
	v5 =	vld [tilespmem:s22+$0x1C10]  }
0xaa: {  	v6 =	vld [tilespmem:s22+$0x1C20];
	v3 =	vadd.f32 v4, v3;
	v4 =	vadd.f32 v11, v7  }
0xab: {  	s23 =	simm.s32 $0x18210;
	v12 =	vadd.f32 v14, v2;
	v13 =	vadd.f32 v13, v0;
	v7 =	vld [tilespmem:s22+$0x1C30]  }
0xac: {  	s25 =	simm.s32 $0x800;
	s24 =	simm.s32 $0x0;
	[tilespmem:s23+$0x0] =	vst v1;
	v9 =	vld [tilespmem:s22+$0x1C40];
	v11 =	vadd.f32 v15, v3;
	v10 =	vadd.f32 v10, v4  }
.LBB2_3:
0xad: {  	s26 =	sand.u32 $0x2000, s25;
	v0 =	vadd.f32 v8, v13;
	v1 =	vld [tilespmem:s22+$0x1C50];
	s21 =	sadd.s32 $0x100, s21  }
0xae: {  	s28 =	sadd.s32 $0xFFFFFF80, s21;
	s29 =	sadd.s32 s26, s20;
	s26 =	sand.u32 $0x380, s21;
	v2 =	vadd.f32 v5, v11;
	v3 =	vld [tilespmem:s22+$0x1C60]  }
0xaf: {  	s28 =	sand.u32 $0x300, s28;
	s26 =	sadd.s32 s26, s29;
	v4 =	vadd.f32 v6, v12;
	v11 =	vld [tilespmem:s22+$0x1C70]  }
0xb0: {  	s22 =	sadd.s32 s28, s29;
	v5 =	vld [tilespmem:s26+$0x1C40];
	v10 =	vadd.f32 v7, v10  }
0xb1: {  	v6 =	vld [tilespmem:s26+$0x1C50];
	v0 =	vadd.f32 v9, v0  }
0xb2: {  	v7 =	vld [tilespmem:s26+$0x1C00];
	v1 =	vadd.f32 v1, v2  }
0xb3: {  	v8 =	vld [tilespmem:s26+$0x1C10];
	v2 =	vadd.f32 v3, v4  }
0xb4: {  	v9 =	vld [tilespmem:s26+$0x1840];
	v3 =	vadd.f32 v11, v10;
	v0 =	vadd.f32 v1, v0  }
0xb5: {  	v10 =	vld [tilespmem:s26+$0x1850]  }
0xb6: {  	v11 =	vld [tilespmem:s26+$0x1800];
	v1 =	vadd.f32 v3, v2  }
0xb7: {  	v12 =	vld [tilespmem:s26+$0x1810]  }
0xb8: {  	v13 =	vld [tilespmem:s26+$0x1440];
	v0 =	vadd.f32 v1, v0  }
0xb9: {  	v14 =	vld [tilespmem:s26+$0x1450]  }
0xba: {  	v15 =	vld [tilespmem:s26+$0x1400];
	[tilespmem:s23+$0xFFFFFFF0] =	vst v0  }
0xbb: {  	v16 =	vld [tilespmem:s26+$0x1410]  }
0xbc: {  	v0 =	vld [tilespmem:s26+$0x1040]  }
0xbd: {  	v1 =	vld [tilespmem:s26+$0x1050]  }
0xbe: {  	v2 =	vld [tilespmem:s26+$0x1000]  }
0xbf: {  	v3 =	vld [tilespmem:s26+$0x1010]  }
0xc0: {  	v4 =	vld [tilespmem:s26+$0xC40]  }
0xc1: {  	v18 =	vld [tilespmem:s26+$0xC50]  }
0xc2: {  	v19 =	vld [tilespmem:s26+$0xC00]  }
0xc3: {  	v20 =	vld [tilespmem:s26+$0xC10]  }
0xc4: {  	v21 =	vld [tilespmem:s26+$0x840]  }
0xc5: {  	v22 =	vld [tilespmem:s26+$0x850]  }
0xc6: {  	v23 =	vld [tilespmem:s26+$0x800]  }
0xc7: {  	v24 =	vld [tilespmem:s26+$0x810]  }
0xc8: {  	v25 =	vld [tilespmem:s26+$0x440]  }
0xc9: {  	v26 =	vld [tilespmem:s26+$0x450]  }
0xca: {  	v27 =	vld [tilespmem:s26+$0x400]  }
0xcb: {  	v28 =	vld [tilespmem:s26+$0x410]  }
0xcc: {  	v29 =	vld [tilespmem:s26+$0x40]  }
0xcd: {  	v30 =	vld [tilespmem:s26+$0x50]  }
0xce: {  	s24 =	sadd.s32 $0x2, s24;
	v31 =	vld [tilespmem:s26+$0x0]  }
0xcf: {  	p0 =	slt.u32 s24, $0xE;
	v32 =	vld [tilespmem:s26+$0x10]  }
0xd0: {  	v33 =	vld [tilespmem:s26+$0x20]  }
0xd1: {  	v34 =	vld [tilespmem:s26+$0x30]  }
0xd2: {  	v35 =	vld [tilespmem:s26+$0x60]  }
0xd3: {  	v36 =	vld [tilespmem:s26+$0x70]  }
0xd4: {  	v37 =	vld [tilespmem:s26+$0x420]  }
0xd5: {  	v31 =	vadd.f32 $0.0e+00, v31;
	v32 =	vadd.f32 $0.0e+00, v32;
	v38 =	vld [tilespmem:s26+$0x430]  }
0xd6: {  	v33 =	vadd.f32 $0.0e+00, v33;
	v34 =	vadd.f32 $0.0e+00, v34;
	v39 =	vld [tilespmem:s26+$0x460]  }
0xd7: {  	v29 =	vadd.f32 v29, v31;
	v30 =	vadd.f32 v30, v32;
	v31 =	vld [tilespmem:s26+$0x470]  }
0xd8: {  	v32 =	vadd.f32 v35, v33;
	v33 =	vadd.f32 v36, v34;
	v34 =	vld [tilespmem:s26+$0x820]  }
0xd9: {  	v27 =	vadd.f32 v27, v29;
	v28 =	vadd.f32 v28, v30;
	v29 =	vld [tilespmem:s26+$0x830]  }
0xda: {  	v30 =	vadd.f32 v37, v32;
	v32 =	vadd.f32 v38, v33;
	v33 =	vld [tilespmem:s26+$0x860]  }
0xdb: {  	v25 =	vadd.f32 v25, v27;
	v26 =	vadd.f32 v26, v28;
	v27 =	vld [tilespmem:s26+$0x870]  }
0xdc: {  	v28 =	vadd.f32 v39, v30;
	v30 =	vadd.f32 v31, v32;
	v31 =	vld [tilespmem:s26+$0xC20]  }
0xdd: {  	v23 =	vadd.f32 v23, v25;
	v24 =	vadd.f32 v24, v26;
	v25 =	vld [tilespmem:s26+$0xC30]  }
0xde: {  	v26 =	vadd.f32 v34, v28;
	v28 =	vadd.f32 v29, v30;
	v29 =	vld [tilespmem:s26+$0xC60]  }
0xdf: {  	v21 =	vadd.f32 v21, v23;
	v22 =	vadd.f32 v22, v24;
	v23 =	vld [tilespmem:s26+$0xC70]  }
0xe0: {  	v24 =	vadd.f32 v33, v26;
	v26 =	vadd.f32 v27, v28;
	v27 =	vld [tilespmem:s26+$0x1020]  }
0xe1: {  	v19 =	vadd.f32 v19, v21;
	v20 =	vadd.f32 v20, v22;
	v21 =	vld [tilespmem:s26+$0x1030]  }
0xe2: {  	v22 =	vadd.f32 v31, v24;
	v24 =	vadd.f32 v25, v26;
	v25 =	vld [tilespmem:s26+$0x1060]  }
0xe3: {  	v4 =	vadd.f32 v4, v19;
	v18 =	vadd.f32 v18, v20;
	v19 =	vld [tilespmem:s26+$0x1070]  }
0xe4: {  	v20 =	vadd.f32 v29, v22;
	v22 =	vadd.f32 v23, v24;
	v23 =	vld [tilespmem:s26+$0x1420]  }
0xe5: {  	v2 =	vadd.f32 v2, v4;
	v3 =	vadd.f32 v3, v18;
	v4 =	vld [tilespmem:s26+$0x1430]  }
0xe6: {  	v18 =	vadd.f32 v27, v20;
	v20 =	vadd.f32 v21, v22;
	v21 =	vld [tilespmem:s26+$0x1460]  }
0xe7: {  	v0 =	vadd.f32 v0, v2;
	v1 =	vadd.f32 v1, v3;
	v2 =	vld [tilespmem:s26+$0x1470]  }
0xe8: {  	v3 =	vadd.f32 v25, v18;
	v18 =	vadd.f32 v19, v20;
	v19 =	vld [tilespmem:s26+$0x1820]  }
0xe9: {  	v0 =	vadd.f32 v15, v0;
	v1 =	vadd.f32 v16, v1;
	v15 =	vld [tilespmem:s26+$0x1830]  }
0xea: {  	v3 =	vadd.f32 v23, v3;
	v4 =	vadd.f32 v4, v18;
	v16 =	vld [tilespmem:s26+$0x1860]  }
0xeb: {  	v0 =	vadd.f32 v13, v0;
	v1 =	vadd.f32 v14, v1;
	v13 =	vld [tilespmem:s26+$0x1870]  }
0xec: {  	v3 =	vadd.f32 v21, v3;
	v2 =	vadd.f32 v2, v4;
	v4 =	vld [tilespmem:s26+$0x1C20]  }
0xed: {  	v0 =	vadd.f32 v11, v0;
	v1 =	vadd.f32 v12, v1;
	v11 =	vld [tilespmem:s26+$0x1C30]  }
0xee: {  	v3 =	vadd.f32 v19, v3;
	v2 =	vadd.f32 v15, v2;
	v12 =	vld [tilespmem:s26+$0x1C60]  }
0xef: {  	v0 =	vadd.f32 v9, v0;
	v1 =	vadd.f32 v10, v1;
	v9 =	vld [tilespmem:s26+$0x1C70]  }
0xf0: {  	v3 =	vadd.f32 v16, v3;
	v10 =	vld [tilespmem:s22+$0x0];
	v2 =	vadd.f32 v13, v2  }
0xf1: {  	v0 =	vadd.f32 v7, v0;
	v1 =	vadd.f32 v8, v1;
	v13 =	vld [tilespmem:s22+$0x10]  }
0xf2: {  	v3 =	vadd.f32 v4, v3;
	v7 =	vld [tilespmem:s22+$0x20];
	v2 =	vadd.f32 v11, v2  }
0xf3: {  	v0 =	vadd.f32 v5, v0;
	v1 =	vadd.f32 v6, v1;
	v4 =	vld [tilespmem:s22+$0x30]  }
0xf4: {  	v3 =	vadd.f32 v12, v3;
	v5 =	vld [tilespmem:s22+$0x40];
	v2 =	vadd.f32 v9, v2  }
0xf5: {  	v6 =	vadd.f32 $0.0e+00, v10;
	v8 =	vld [tilespmem:s22+$0x50]  }
0xf6: {  	v0 =	vadd.f32 v1, v0;
	v9 =	vld [tilespmem:s22+$0x60];
	v1 =	vadd.f32 v2, v3  }
0xf7: {  	v2 =	vadd.f32 $0.0e+00, v13;
	v3 =	vadd.f32 $0.0e+00, v7;
	v7 =	vld [tilespmem:s22+$0x70]  }
0xf8: {  	v4 =	vadd.f32 $0.0e+00, v4;
	v10 =	vld [tilespmem:s22+$0x400];
	v0 =	vadd.f32 v1, v0  }
0xf9: {  	s23 =	sadd.s32 $0x20, s23;
	v1 =	vadd.f32 v5, v6;
	v5 =	vld [tilespmem:s22+$0x410]  }
0xfa: {  	v2 =	vadd.f32 v8, v2;
	v6 =	vld [tilespmem:s22+$0x420];
	[tilespmem:s23+$0x0] =	vst v0  }
0xfb: {  	v0 =	vadd.f32 v9, v3;
	v3 =	vld [tilespmem:s22+$0x430]  }
0xfc: {  	v4 =	vadd.f32 v7, v4;
	v7 =	vld [tilespmem:s22+$0x440]  }
0xfd: {  	v1 =	vadd.f32 v10, v1;
	v8 =	vld [tilespmem:s22+$0x450]  }
0xfe: {  	v2 =	vadd.f32 v5, v2;
	v5 =	vld [tilespmem:s22+$0x460]  }
0xff: {  	v0 =	vadd.f32 v6, v0;
	v6 =	vld [tilespmem:s22+$0x470]  }
0x100: {  	v3 =	vadd.f32 v3, v4;
	v4 =	vld [tilespmem:s22+$0x800]  }
0x101: {  	v1 =	vadd.f32 v7, v1;
	v7 =	vld [tilespmem:s22+$0x810]  }
0x102: {  	v2 =	vadd.f32 v8, v2;
	v8 =	vld [tilespmem:s22+$0x820]  }
0x103: {  	v0 =	vadd.f32 v5, v0;
	v5 =	vld [tilespmem:s22+$0x830]  }
0x104: {  	v3 =	vadd.f32 v6, v3;
	v6 =	vld [tilespmem:s22+$0x840]  }
0x105: {  	v1 =	vadd.f32 v4, v1;
	v4 =	vld [tilespmem:s22+$0x850]  }
0x106: {  	v2 =	vadd.f32 v7, v2;
	v7 =	vld [tilespmem:s22+$0x860]  }
0x107: {  	v0 =	vadd.f32 v8, v0;
	v8 =	vld [tilespmem:s22+$0x870]  }
0x108: {  	v3 =	vadd.f32 v5, v3;
	v5 =	vld [tilespmem:s22+$0xC00]  }
0x109: {  	v1 =	vadd.f32 v6, v1;
	v6 =	vld [tilespmem:s22+$0xC10]  }
0x10a: {  	v2 =	vadd.f32 v4, v2;
	v4 =	vld [tilespmem:s22+$0xC20]  }
0x10b: {  	v0 =	vadd.f32 v7, v0;
	v7 =	vld [tilespmem:s22+$0xC30]  }
0x10c: {  	v3 =	vadd.f32 v8, v3;
	v8 =	vld [tilespmem:s22+$0xC40]  }
0x10d: {  	v1 =	vadd.f32 v5, v1;
	v5 =	vld [tilespmem:s22+$0xC50]  }
0x10e: {  	v2 =	vadd.f32 v6, v2;
	v6 =	vld [tilespmem:s22+$0xC60]  }
0x10f: {  	v0 =	vadd.f32 v4, v0;
	v4 =	vld [tilespmem:s22+$0xC70]  }
0x110: {  	v3 =	vadd.f32 v7, v3;
	v7 =	vld [tilespmem:s22+$0x1000]  }
0x111: {  	v1 =	vadd.f32 v8, v1;
	v8 =	vld [tilespmem:s22+$0x1010]  }
0x112: {  	v2 =	vadd.f32 v5, v2;
	v5 =	vld [tilespmem:s22+$0x1020]  }
0x113: {  	v0 =	vadd.f32 v6, v0;
	v6 =	vld [tilespmem:s22+$0x1030]  }
0x114: {  	v3 =	vadd.f32 v4, v3;
	v4 =	vld [tilespmem:s22+$0x1040]  }
0x115: {  	v1 =	vadd.f32 v7, v1;
	v7 =	vld [tilespmem:s22+$0x1050]  }
0x116: {  	v2 =	vadd.f32 v8, v2;
	v8 =	vld [tilespmem:s22+$0x1060]  }
0x117: {  	v0 =	vadd.f32 v5, v0;
	v5 =	vld [tilespmem:s22+$0x1070]  }
0x118: {  	v3 =	vadd.f32 v6, v3;
	v6 =	vld [tilespmem:s22+$0x1400]  }
0x119: {  	v1 =	vadd.f32 v4, v1;
	v4 =	vld [tilespmem:s22+$0x1410]  }
0x11a: {  	v2 =	vadd.f32 v7, v2;
	v7 =	vld [tilespmem:s22+$0x1420]  }
0x11b: {  	v0 =	vadd.f32 v8, v0;
	v8 =	vld [tilespmem:s22+$0x1430]  }
0x11c: {  	v3 =	vadd.f32 v5, v3;
	v5 =	vld [tilespmem:s22+$0x1440]  }
0x11d: {  	v1 =	vadd.f32 v6, v1;
	v6 =	vld [tilespmem:s22+$0x1450]  }
0x11e: {  	v2 =	vadd.f32 v4, v2;
	v4 =	vld [tilespmem:s22+$0x1460]  }
0x11f: {  	v0 =	vadd.f32 v7, v0;
	v7 =	vld [tilespmem:s22+$0x1470]  }
0x120: {  	v3 =	vadd.f32 v8, v3;
	v8 =	vld [tilespmem:s22+$0x1800]  }
0x121: {  	v1 =	vadd.f32 v5, v1;
	v5 =	vld [tilespmem:s22+$0x1810]  }
0x122: {  	v2 =	vadd.f32 v6, v2;
	v6 =	vld [tilespmem:s22+$0x1820]  }
0x123: {  	v0 =	vadd.f32 v4, v0;
	v4 =	vld [tilespmem:s22+$0x1830]  }
0x124: {  	v3 =	vadd.f32 v7, v3;
	v7 =	vld [tilespmem:s22+$0x1840]  }
0x125: {  	v1 =	vadd.f32 v8, v1;
	v9 =	vld [tilespmem:s22+$0x1850]  }
0x126: {  	v2 =	vadd.f32 v5, v2;
	v10 =	vld [tilespmem:s22+$0x1860]  }
0x127: {  	v0 =	vadd.f32 v6, v0;
	v14 =	vld [tilespmem:s22+$0x1870]  }
.Ltmp0:
0x128: {  	v3 =	vadd.f32 v4, v3;
	v8 =	vld [tilespmem:s22+$0x1C00];
	(pc) =	sbr.rel @p0 .LBB2_3-.Ltmp0, $4  }
0x129: {  	v13 =	vadd.f32 v7, v1;
	v5 =	vld [tilespmem:s22+$0x1C10]  }
0x12a: {  	v11 =	vadd.f32 v9, v2;
	v6 =	vld [tilespmem:s22+$0x1C20]  }
0x12b: {  	v12 =	vadd.f32 v10, v0;
	v7 =	vld [tilespmem:s22+$0x1C30]  }
0x12c: {  	s25 =	sadd.s32 $0x800, s25;
	v10 =	vadd.f32 v14, v3;
	v9 =	vld [tilespmem:s22+$0x1C40]  }
0x12d: {  	v0 =	vld [tilespmem:s22+$0x1C50]  }
0x12e: {  	v1 =	vld [tilespmem:s22+$0x1C60]  }
0x12f: {  	v2 =	vld [tilespmem:s22+$0x1C70];
	_ =	sdelay $0x1  }
0x130: {  	v3 =	vadd.f32 v8, v13;
	v4 =	vadd.f32 v5, v11  }
0x131: {  	v51 =	vadd.f32 v6, v12;
	v52 =	vadd.f32 v7, v10  }
0x132: {  	v3 =	vadd.f32 v9, v3;
	v0 =	vadd.f32 v0, v4  }
0x133: {  	v1 =	vadd.f32 v1, v51;
	v2 =	vadd.f32 v2, v52;
	_ =	sdelay $0x1  }
0x134: {  	v0 =	vadd.f32 v0, v3;
	v1 =	vadd.f32 v2, v1;
	_ =	sdelay $0x1  }
0x135: {  	v0 =	vadd.f32 v1, v0;
	_ =	sdelay $0x1  }
0x136: {  	[tilespmem:s23+$0xFFFFFFF0] =	vst v0  }
0x137: {  	v0 =	vld [tilespmem:$0x18200]  }
0x138: {  	v53 =	vld [tilespmem:$0x18210]  }
0x139: {  	v54 =	vld [tilespmem:$0x18220]  }
0x13a: {  	v55 =	vld [tilespmem:$0x18230]  }
0x13b: {  	v56 =	vld [tilespmem:$0x18240]  }
0x13c: {  	v57 =	vld [tilespmem:$0x18250]  }
0x13d: {  	v58 =	vld [tilespmem:$0x18260]  }
0x13e: {  	v59 =	vld [tilespmem:$0x18270]  }
0x13f: {  	v60 =	vld [tilespmem:$0x18280]  }
0x140: {  	v62 =	vld [tilespmem:$0x18290]  }
0x141: {  	v21 =	vld [tilespmem:$0x182A0]  }
0x142: {  	v15 =	vld [tilespmem:$0x182B0]  }
0x143: {  	v22 =	vld [tilespmem:$0x182C0]  }
0x144: {  	v25 =	vld [tilespmem:$0x182D0];
	v61 =	vperm.xlane v53, v17;
	v63 =	vperm.xlane v0, v17  }
0x145: {  	v28 =	vld [tilespmem:$0x182F0];
	v20 =	vperm.xlane v55, v17;
	v14 =	vperm.xlane v54, v17  }
0x146: {  	v30 =	vld [tilespmem:$0x182E0];
	v23 =	vperm.xlane v57, v17;
	v24 =	vperm.xlane v56, v17  }
0x147: {  	v27 =	vperm.xlane v59, v17;
	v29 =	vperm.xlane v58, v17  }
0x148: {  	v31 =	vperm.xlane v62, v17;
	v33 =	vperm.xlane v60, v17  }
0x149: {  	v34 =	vperm.xlane v15, v17;
	v35 =	vperm.xlane v21, v17  }
0x14a: {  	v37 =	vperm.xlane v25, v17;
	v38 =	vperm.xlane v22, v17  }
0x14b: {  	v39 =	vperm.xlane v28, v17;
	v40 =	vperm.xlane v30, v17;
	v0 =	vsel vm3, v0, v61  }
0x14c: {  	v1 =	vsel vm3, v63, v53;
	v2 =	vsel vm3, v54, v20;
	v3 =	vsel vm3, v14, v55  }
0x14d: {  	v4 =	vsel vm3, v56, v23;
	v5 =	vsel vm3, v24, v57;
	v32 =	vsel vm3, v29, v59  }
0x14e: {  	v44 =	vld [tilespmem:$0x1FFC0];
	v7 =	vsel vm3, v33, v62;
	v36 =	vsel vm3, v21, v34;
	v6 =	vsel vm3, v35, v15  }
0x14f: {  	v41 =	vsel vm3, v22, v37;
	v42 =	vsel vm3, v38, v25;
	v0 =	vadd.f32 v1, v0  }
0x150: {  	v43 =	vsel vm3, v30, v39;
	v26 =	vadd.f32 v3, v2;
	v4 =	vadd.f32 v5, v4  }
0x151: {  	v2 =	vsel vm3, v58, v27;
	v5 =	vsel vm3, v60, v31;
	v6 =	vadd.f32 v6, v36  }
0x152: {  	v3 =	vsel vm3, v40, v28;
	v8 =	vadd.f32 v42, v41;
	v2 =	vadd.f32 v32, v2  }
0x153: {  	v5 =	vadd.f32 v7, v5;
	v45 =	vperm.xlane v26, v44;
	v46 =	vperm.xlane v0, v44  }
0x154: {  	v3 =	vadd.f32 v3, v43;
	v48 =	vperm.xlane v4, v44;
	v49 =	vperm.xlane v6, v44  }
0x155: {  	v52 =	vperm.xlane v8, v44;
	v47 =	vperm.xlane v2, v44  }
0x156: {  	v57 =	vld [tilespmem:$0x1FFD0];
	v50 =	vperm.xlane v5, v44;
	v51 =	vperm.xlane v3, v44;
	v0 =	vsel vm0, v0, v45  }
0x157: {  	v1 =	vsel vm0, v46, v26;
	v2 =	vsel vm0, v48, v2;
	v54 =	vsel vm0, v5, v49  }
0x158: {  	v3 =	vsel vm0, v52, v3;
	v4 =	vsel vm0, v4, v47;
	v0 =	vadd.f32 v1, v0  }
0x159: {  	v55 =	vsel vm0, v50, v6;
	v56 =	vsel vm0, v8, v51;
	v53 =	vadd.f32 v2, v4  }
0x15a: {  	v2 =	vadd.f32 v55, v54;
	v3 =	vadd.f32 v3, v56  }
0x15b: {  	v59 =	vperm.xlane v0, v57;
	v58 =	vperm.xlane v53, v57  }
0x15c: {  	v62 =	vld [tilespmem:$0x1FFE0];
	v60 =	vperm.xlane v3, v57;
	v7 =	vperm.xlane v2, v57  }
0x15d: {  	v1 =	vsel vm1, v59, v53  }
0x15e: {  	p0 =	sgt.u32 s19, $0x19;
	v0 =	vsel vm1, v0, v58;
	v2 =	vsel vm1, v2, v60;
	v3 =	vsel vm1, v7, v3  }
0x15f: {  	s20 =	sadd.s32 @!p0 $0x6, s19;
	v0 =	vadd.f32 v1, v0;
	v61 =	vadd.f32 v3, v2  }
0x160: {  	s21 =	smul.u32 @!p0 $0xAB, s20  }
0x161: {  	v63 =	vld [tilespmem:$0x1FFF0];
	v2 =	vperm.xlane v61, v62;
	v3 =	vperm.xlane v0, v62  }
0x162: {  	s21 =	sshrl.u32 @!p0 s21, $0xA  }
0x163: {  	s21 =	sand.u32 @!p0 $0x3F, s21;
	v0 =	vsel vm2, v0, v2;
	v1 =	vsel vm2, v3, v61  }
0x164: {  	s21 =	smul.u32 @!p0 $0x6, s21;
	v0 =	vadd.f32 v1, v0  }
0x165: {  	s31 =	sshll.u32 s19, $0x4  }
0x166: {  	s22 =	sand.u32 $0x3FFFFFF0, s31;
	s21 =	ssub.s32 @!p0 s20, s21;
	s20 =	sshll.u32 @!p0 s20, $0xB;
	v0 =	vperm.xlane v0, v63  }
0x167: {  	s19 =	sadd.s32 $0x1, s19;
	s21 =	sand.u32 @!p0 $0xFF, s21;
	s20 =	sadd.s32 @!p0 s20, s3  }
0x168: {  	s23 =	sshll.u32 @!p0 s21, $0xE;
	s21 =	sadd.s32 @!p0 $0x1, s21;
	[tilespmem:s22+$0x18000] =	vst v0;
	s22 =	simm.s32 @!p0 $0x0  }
0x169: {  	[tilespmem:s23], [sflag:s21] =	stream.linear.gather @!p0 [hbm4b:s20+s22], $0x4000, $0x38;
	[tilespmem:$0x18300] =	vst v63  }
0x16a: {  	p0 =	sne.s32 s19, $0x20  }
.Ltmp1:
0x16b: {  	_ = 	snop;
	(pc) =	sbr.rel @p0 .LBB2_2-.Ltmp1, $1  }
0x16c: {  	_ =	sdelay $0x3  }
0x16d: {  	s18 =	sadd.s32 $0x1, s18  }
0x16e: {  	p0 =	sne.s32 s18, s10  }
.Ltmp2:
0x16f: {  	_ = 	snop;
	(pc) =	sbr.rel @p0 .LBB2_1-.Ltmp2, $4  }
0x170: {  	[hbm4b:s9+s2] =	stream.linear.scatter [tilespmem:s16], [sflag:$0x7], $0x200, $0x38;
	[tilespmem:$0x18300] =	vst v63  }
0x171: {  	_ =	swait.ge [sflag:s17], $0x200  }
0x172: {  	[sflag:s17] =	ssyncset.done $0x0  }
0x173: {  	[sflag:s17] =	ssyncadd.s32 $0xFFFFFE00  }
0x174: {  	_ =	sfence.sel $0x180000  }
0x175: {  	[bflag:$0x0] =	sbarrier.arrive $0xFFFF  }
0x176: {  	p0 =	sne.s32 s0, $0x0;
	_ =	strace $0x90000047  }
0x177: {  	s0 =	sadd.s32 @!p0 $0x100000, s1;
	[bflag:$0x2] =	sbarrier.arrive $0xFFFF  }
0x178: {  	[sflag:s0] =	ssyncadd.tile.s32 @!p0 $0x1;
	_ =	shalt  }
.Lfunc_end2:
_tile_overlayer_lowered:
.L_overlay_start_2:
0x179: {  	(tag) =	ssettag $0x2  }
0x17a: {  	s0 =	rddreg [dreg:$0x0];
	s2 =	stileid.u32  }
0x17b: {  	s1 =	rddreg [dreg:$0x1];
	p0 =	sne.s32 s2, $0x0  }
0x17c: {  	s3 =	rddreg [dreg:$0x2];
	[bflag:$0x3] =	sbarrier.arrive $0xFFFF;
	s2 =	simm.s32 @!p0 $0x1C07  }
0x17d: {  	[timem:s3], [sflag:s2] =	dma.local @!p0 [hbm:s0], s1  }
0x17e: {  	s0 =	simm.s32 @!p0 $0x7  }
0x17f: {  	_ =	swait.ge @!p0 [sflag:s0], s1  }
0x180: {  	s1 =	ssub.s32 @!p0 $0x0, s1;
	[sflag:s0] =	ssyncset.done @!p0 $0x0  }
0x181: {  	[sflag:s0] =	ssyncadd.s32 @!p0 s1  }
0x182: {  	[bflag:$0x3] =	sbarrier.arrive $0xFFFF  }
0x183: {  	_ =	shalt  }

</sc_bundles>
